<compile_context>
chip_gen: v7x
topology: tpu7x:2x2x1
jax: 0.10.2.dev20260603
libtpu: 0.0.44.dev20260713+nightly
codegen_flags: <defaults>
</compile_context>

<pallas_src>
import dataclasses
import functools
import math

import jax
import jax.numpy as jnp
from jax.experimental import pallas as pl
from jax.experimental.pallas import tpu as pltpu
from jax.experimental.pallas import tpu_sc as plsc

EPS = 1e-08
LOG2E = 1.4426950408889634
N = 2048
D = 768
H = 12
HD = 64
K = 32
BLK = 512
NBLK = N // BLK
SC_ROWS = 8


def _dist_kernel(pos_ref, posT_ref, scal_ref, dist_ref):
    c = scal_ref[0, 0]
    scale = scal_ref[0, 1]
    p0 = pos_ref[:, 0:1]
    p1 = pos_ref[:, 1:2]
    p2 = pos_ref[:, 2:3]
    q0 = posT_ref[0:1, :]
    q1 = posT_ref[1:2, :]
    q2 = posT_ref[2:3, :]
    xx = p0 * p0 + p1 * p1 + p2 * p2
    yy = q0 * q0 + q1 * q1 + q2 * q2
    d0 = p0 - q0
    d1 = p1 - q1
    d2c = p2 - q2
    dsq = d0 * d0 + d1 * d1 + d2c * d2c
    num = (2.0 * c) * dsq
    den = (1.0 - c * xx) * (1.0 - c * yy)
    e = jnp.maximum(num / (den + EPS), 0.0)
    dist_ref[...] = jnp.log1p(e + jnp.sqrt(e * (e + 2.0))) * scale


def _sc_thresh_body(d_vmem, o_vmem):
    carry = []
    for j in range(SC_ROWS):
        c0 = jnp.sort(d_vmem[j, pl.ds(0, 16)])
        c1d = jnp.sort(d_vmem[j, pl.ds(16, 16)])[::-1]
        u = jnp.minimum(c0, c1d)
        w = jnp.maximum(c0, c1d)
        carry += [jnp.sort(u), jnp.sort(w)]

    def step(i, carry):
        out = []
        for j in range(SC_ROWS):
            t0, t1 = carry[2 * j], carry[2 * j + 1]
            cd = jnp.sort(d_vmem[j, pl.ds(i * 16, 16)])[::-1]
            m = jnp.minimum(t1, cd)
            u = jnp.minimum(t0, m)
            w = jnp.maximum(t0, m)
            out += [jnp.sort(u), jnp.sort(w)]
        return tuple(out)

    carry = jax.lax.fori_loop(2, N // 16, step, tuple(carry))
    for j in range(SC_ROWS):
        o_vmem[j, :] = carry[2 * j + 1]


def _sc_thresh(dist):
    mesh = plsc.VectorSubcoreMesh(core_axis_name="c", subcore_axis_name="s")
    cp = pltpu.CompilerParams()
    if "needs_layout_passes" in pltpu.CompilerParams.__dataclass_fields__:
        cp = dataclasses.replace(cp, needs_layout_passes=False)

    @functools.partial(
        pl.kernel,
        out_type=jax.ShapeDtypeStruct((N, 16), jnp.float32),
        mesh=mesh,
        scratch_types=[],
        compiler_params=cp,
    )
    def run(d_hbm, o_hbm):
        pltpu.emit_pipeline(
            _sc_thresh_body,
            grid=(N // SC_ROWS,),
            in_specs=[pl.BlockSpec((SC_ROWS, N), lambda i: (i, 0))],
            out_specs=[pl.BlockSpec((SC_ROWS, 16), lambda i: (i, 0))],
            core_axis_name=("c", "s"),
            dimension_semantics=(pltpu.PARALLEL,),
        )(d_hbm, o_hbm)

    return run(dist)


def _qkv_kernel(x_ref, g_ref, b_ref, wq_ref, bq_ref, wk_ref, bk_ref,
                wv_ref, bv_ref, q_ref, k_ref, v_ref):
    x = x_ref[...]
    m = jnp.mean(x, axis=1, keepdims=True)
    xc = x - m
    var = jnp.mean(xc * xc, axis=1, keepdims=True)
    xn = xc * jax.lax.rsqrt(var + 1e-5) * g_ref[...] + b_ref[...]
    xnb = xn.astype(jnp.bfloat16)
    q = jnp.dot(xnb, wq_ref[...], preferred_element_type=jnp.float32) + bq_ref[...]
    k = jnp.dot(xnb, wk_ref[...], preferred_element_type=jnp.float32) + bk_ref[...]
    v = jnp.dot(xnb, wv_ref[...], preferred_element_type=jnp.float32) + bv_ref[...]
    q_ref[...] = (q * (LOG2E / math.sqrt(HD))).astype(jnp.float8_e4m3fn)
    k_ref[...] = k.astype(jnp.float8_e4m3fn)
    v_ref[...] = v.astype(jnp.bfloat16)


def _attn_ffn_kernel(q_ref, k_ref, v_ref, dist_ref, th_ref, x_ref,
                     wo_ref, bo_ref, g_ref, b_ref,
                     w1_ref, b1_ref, w2_ref, b2_ref, o_ref):
    distT = dist_ref[...]
    biasT = jnp.where(distT <= th_ref[...], -distT, jnp.float32(-1e30))
    outs = []
    for h in range(H):
        qh = q_ref[:, h * HD:(h + 1) * HD]
        kh = k_ref[:, h * HD:(h + 1) * HD]
        vh = v_ref[:, h * HD:(h + 1) * HD]
        scoresT = jax.lax.dot_general(
            kh, qh, (((1,), (1,)), ((), ())),
            preferred_element_type=jnp.float32)
        exT = jnp.exp2(scoresT + biasT)
        sT = jnp.sum(exT, axis=0, keepdims=True)
        oT = jax.lax.dot_general(
            vh, exT.astype(jnp.bfloat16), (((0,), (0,)), ((), ())),
            preferred_element_type=jnp.float32)
        outs.append((oT * (1.0 / sT)).astype(jnp.bfloat16))
    attT = jnp.concatenate(outs, axis=0)
    att = attT.T
    x1 = x_ref[...] + jnp.dot(att, wo_ref[...],
                              preferred_element_type=jnp.float32) + bo_ref[...]
    m = jnp.mean(x1, axis=1, keepdims=True)
    xc = x1 - m
    var = jnp.mean(xc * xc, axis=1, keepdims=True)
    xn = xc * jax.lax.rsqrt(var + 1e-5) * g_ref[...] + b_ref[...]
    h = jnp.dot(xn.astype(jnp.bfloat16), w1_ref[...],
                preferred_element_type=jnp.float32) + b1_ref[...]
    g = 0.5 * h * (1.0 + jax.lax.erf(h * (1.0 / math.sqrt(2.0))))
    o_ref[...] = x1 + jnp.dot(g.astype(jnp.bfloat16), w2_ref[...],
                              preferred_element_type=jnp.float32) + b2_ref[...]


def _full(shape):
    nd = len(shape)
    return pl.BlockSpec(shape, lambda i: (0,) * nd)


def kernel(x, positions, c, Wq, bq, Wk, bk, Wv, bv, Wo, bo,
           W1, bf1, W2, bf2, g1, be1, g2, be2, log_tau):
    f32 = jnp.float32
    bf16 = jnp.bfloat16
    x2 = x[0]
    pos = positions[0]
    posT = pos.T
    tau = jnp.exp(log_tau) + EPS
    scale = LOG2E / (jnp.sqrt(c[0]) * tau)
    scal = jnp.stack([c[0], scale]).reshape(1, 2)

    dist = pl.pallas_call(
        _dist_kernel,
        grid=(NBLK,),
        compiler_params=pltpu.CompilerParams(dimension_semantics=("parallel",)),
        in_specs=[
            pl.BlockSpec((BLK, 3), lambda i: (i, 0)),
            _full((3, N)),
            _full((1, 2)),
        ],
        out_specs=pl.BlockSpec((BLK, N), lambda i: (i, 0)),
        out_shape=jax.ShapeDtypeStruct((N, N), f32),
    )(pos, posT, scal)

    th_row = _sc_thresh(dist)[:, 15].reshape(1, N)

    row = lambda a: a.reshape(1, -1)
    q, k, v = pl.pallas_call(
        _qkv_kernel,
        grid=(NBLK,),
        compiler_params=pltpu.CompilerParams(dimension_semantics=("parallel",)),
        in_specs=[
            pl.BlockSpec((BLK, D), lambda i: (i, 0)),
            _full((1, D)), _full((1, D)),
            _full((D, D)), _full((1, D)),
            _full((D, D)), _full((1, D)),
            _full((D, D)), _full((1, D)),
        ],
        out_specs=[pl.BlockSpec((BLK, D), lambda i: (i, 0))] * 3,
        out_shape=[jax.ShapeDtypeStruct((N, D), jnp.float8_e4m3fn)] * 2
        + [jax.ShapeDtypeStruct((N, D), bf16)],
    )(x2, row(g1), row(be1),
      Wq.astype(bf16), row(bq), Wk.astype(bf16), row(bk),
      Wv.astype(bf16), row(bv))

    out = pl.pallas_call(
        _attn_ffn_kernel,
        grid=(NBLK,),
        compiler_params=pltpu.CompilerParams(dimension_semantics=("parallel",)),
        in_specs=[
            pl.BlockSpec((BLK, D), lambda i: (i, 0)),
            _full((N, D)),
            _full((N, D)),
            pl.BlockSpec((N, BLK), lambda i: (0, i)),
            pl.BlockSpec((1, BLK), lambda i: (0, i)),
            pl.BlockSpec((BLK, D), lambda i: (i, 0)),
            _full((D, D)), _full((1, D)),
            _full((1, D)), _full((1, D)),
            _full((D, 4 * D)), _full((1, 4 * D)),
            _full((4 * D, D)), _full((1, D)),
        ],
        out_specs=pl.BlockSpec((BLK, D), lambda i: (i, 0)),
        out_shape=jax.ShapeDtypeStruct((N, D), f32),
    )(q, k, v, dist, th_row, x2, Wo.astype(bf16), row(bo),
      row(g2), row(be2),
      W1.astype(bf16), row(bf1), W2.astype(bf16), row(bf2))

    return out.reshape(1, N, D)

# --- scband reference (transcript-rebuilt; emitter-appended) ---
"""Pipeline reference for scband-k-nnhyperbolic-attention-layer-8924942041790 (READ-ONLY COPY).

The authoritative reference and input builder live on the scoring server;
editing this copy changes nothing except your own understanding.
"""

import jax, jax.numpy as jnp
import numpy as np
import math

EPS = 1e-08


def _layernorm(x, g, b):
    m = jnp.mean(x, axis=-1, keepdims=True)
    v = jnp.var(x, axis=-1, keepdims=True)
    return (x - m) / jnp.sqrt(v + 1e-5) * g + b


def _poincare_dist(x, y, c):
    sqrt_c = jnp.sqrt(c).squeeze()
    diff_norm_sq = jnp.sum((x - y) ** 2, axis=-1)
    x_norm_sq = jnp.sum(x ** 2, axis=-1)
    y_norm_sq = jnp.sum(y ** 2, axis=-1)
    num = 2.0 * c * diff_norm_sq
    den = (1.0 - c * x_norm_sq) * (1.0 - c * y_norm_sq)
    arg = jnp.clip(1.0 + num / (den + EPS), 1.0, None)
    return jnp.arccosh(arg) / sqrt_c


def setup_inputs(seed: int = 0) -> dict:
    key = jax.random.key(seed)
    ks = jax.random.split(key, 12)
    B, N, D, H, K = 1, 2048, 768, 12, 32
    s = 0.02
    inp = {}
    inp['x'] = jax.random.normal(ks[0], (B, N, D), dtype=jnp.float32)
    # positions must lie strictly inside the Poincare ball of curvature c=1
    inp['positions'] = jax.random.uniform(ks[1], (B, N, 3), dtype=jnp.float32) * 0.5
    inp['c'] = jnp.ones((1,), dtype=jnp.float32)
    inp['Wq'] = jax.random.normal(ks[2], (D, D), dtype=jnp.float32) * s
    inp['bq'] = jnp.zeros((D,), dtype=jnp.float32)
    inp['Wk'] = jax.random.normal(ks[3], (D, D), dtype=jnp.float32) * s
    inp['bk'] = jnp.zeros((D,), dtype=jnp.float32)
    inp['Wv'] = jax.random.normal(ks[4], (D, D), dtype=jnp.float32) * s
    inp['bv'] = jnp.zeros((D,), dtype=jnp.float32)
    inp['Wo'] = jax.random.normal(ks[5], (D, D), dtype=jnp.float32) * s
    inp['bo'] = jnp.zeros((D,), dtype=jnp.float32)
    inp['W1'] = jax.random.normal(ks[6], (D, 4 * D), dtype=jnp.float32) * s
    inp['bf1'] = jnp.zeros((4 * D,), dtype=jnp.float32)
    inp['W2'] = jax.random.normal(ks[7], (4 * D, D), dtype=jnp.float32) * s
    inp['bf2'] = jnp.zeros((D,), dtype=jnp.float32)
    inp['g1'] = jnp.ones((D,), dtype=jnp.float32)
    inp['be1'] = jnp.zeros((D,), dtype=jnp.float32)
    inp['g2'] = jnp.ones((D,), dtype=jnp.float32)
    inp['be2'] = jnp.zeros((D,), dtype=jnp.float32)
    inp['log_tau'] = jnp.zeros((), dtype=jnp.float32)
    return inp


def reference(x, positions, c, Wq, bq, Wk, bk, Wv, bv, Wo, bo, W1, bf1, W2, bf2, g1, be1, g2, be2, log_tau):
    B, N, D = x.shape
    H = 12
    hd = D // H
    K = 32
    x_res = x
    x_norm1 = _layernorm(x, g1, be1)
    q = (x_norm1 @ Wq + bq).reshape(B, N, H, hd).transpose(0, 2, 1, 3)
    k = (x_norm1 @ Wk + bk).reshape(B, N, H, hd).transpose(0, 2, 1, 3)
    v = (x_norm1 @ Wv + bv).reshape(B, N, H, hd).transpose(0, 2, 1, 3)
    # pairwise hyperbolic distances (computed under no_grad in torch)
    dist_matrix = _poincare_dist(positions[:, None, :, :], positions[:, :, None, :], c)
    neg_d, top_k_indices = jax.lax.top_k(-dist_matrix, K)  # k smallest distances
    attn_dists = -neg_d  # [B, N, K]
    bidx = jnp.arange(B)[:, None, None]
    # gather neighbor keys/values: result [B, N, K, H, hd] -> [B, H, N, K, hd]
    k_gathered = jnp.transpose(k[bidx, :, top_k_indices], (0, 3, 1, 2, 4))
    v_gathered = jnp.transpose(v[bidx, :, top_k_indices], (0, 3, 1, 2, 4))
    feature_scores = jnp.einsum('bhnd,bhnkd->bhnk', q, k_gathered) / math.sqrt(hd)
    tau = jnp.exp(log_tau) + EPS
    geometric_scores = -attn_dists[:, None, :, :] / tau
    attn_probs = jax.nn.softmax(feature_scores + geometric_scores, axis=-1)
    attn_output = jnp.einsum('bhnk,bhnkd->bhnd', attn_probs, v_gathered)
    attn_output = attn_output.transpose(0, 2, 1, 3).reshape(B, N, D)
    x1 = x_res + attn_output @ Wo + bo
    x_norm2 = _layernorm(x1, g2, be2)
    h = jax.nn.gelu(x_norm2 @ W1 + bf1, approximate=False)
    out = x1 + h @ W2 + bf2
    return out

if __name__ == "__main__":
    import jax
    _d = setup_inputs()
    print(jax.jit(kernel)(*tuple(_d.values())))

</pallas_src>

<mosaic_0001>
#map = affine_map<(d0, d1) -> (0, 0)>
module attributes {stable_mosaic.version = 14 : i64} {
  func.func @run(%arg0: i32, %arg1: i32, %arg2: memref<2048x2048xf32, #tpu.memory_space<hbm>>, %arg3: memref<2048x16xf32, #tpu.memory_space<hbm>>) attributes {dimension_semantics = [#tpu.dimension_semantics<core_parallel>, #tpu.dimension_semantics<subcore_parallel>], iteration_bounds = array<i64: 2, 16>, scalar_prefetch = 0 : i64, scratch_operands = 0 : i64, tpu.core_type = #tpu.core_type<sc_vector_subcore>, window_params = [{transform_indices = #map}, {transform_indices = #map}]} {
    %mul3A = arith.constant 1 : i32
    %mul3A_0 = arith.muli %arg1, %mul3A : i32
    %add3A = arith.constant 0 : i32
    %add3A_1 = arith.addi %add3A, %mul3A_0 : i32
    %mul3A_2 = arith.constant 16 : i32
    %mul3A_3 = arith.muli %arg0, %mul3A_2 : i32
    %add3A_4 = arith.addi %add3A_1, %mul3A_3 : i32
    %mul3A_5 = arith.constant 8 : i32
    %mul3A_6 = arith.muli %add3A_4, %mul3A_5 : i32
    "tpu.region"() ({
      %run_scoped3A = memref.alloca() : memref<2x8x2048xf32, #tpu.memory_space<vmem>>
      %run_scoped3A_7 = tpu.sem_alloc : memref<2x!tpu.dma_semaphore, #tpu.memory_space<semaphore_mem>>
      %run_scoped3A_8 = memref.alloca() : memref<2x8x16xf32, #tpu.memory_space<vmem>>
      %run_scoped3A_9 = tpu.sem_alloc : memref<2x!tpu.dma_semaphore, #tpu.memory_space<semaphore_mem>>
      %add3A_10 = arith.constant 0 : i32
      %add3A_11 = arith.addi %add3A_10, %mul3A_6 : i32
      %select_n3A = arith.constant true
      %select_n3A_12 = arith.constant 0 : i32
      %select_n3A_13 = arith.constant -1 : i32
      %select_n3A_14 = arith.select %select_n3A, %select_n3A_13, %select_n3A_12 : i32
      %eq3A = arith.constant -1 : i32
      %eq3A_15 = arith.cmpi eq, %select_n3A_14, %eq3A : i32
      %select_n3A_16 = arith.constant 7 : i32
      %select_n3A_17 = arith.select %eq3A_15, %select_n3A_16, %select_n3A_14 : i32
      %add3A_18 = arith.addi %select_n3A_17, %mul3A_6 : i32
      %select_n3A_19 = arith.constant true
      %select_n3A_20 = arith.constant 0 : i32
      %select_n3A_21 = arith.constant 1 : i32
      %select_n3A_22 = arith.select %select_n3A_19, %select_n3A_21, %select_n3A_20 : i32
      %eq3A_23 = arith.constant 8 : i32
      %eq3A_24 = arith.cmpi eq, %select_n3A_22, %eq3A_23 : i32
      %select_n3A_25 = arith.constant 0 : i32
      %select_n3A_26 = arith.select %eq3A_24, %select_n3A_25, %select_n3A_22 : i32
      %add3A_27 = arith.addi %select_n3A_26, %mul3A_6 : i32
      %add3A_28 = arith.constant 1 : i32
      %add3A_29 = arith.addi %select_n3A_26, %add3A_28 : i32
      %select_n3A_30 = arith.constant true
      %select_n3A_31 = arith.select %select_n3A_30, %add3A_29, %select_n3A_26 : i32
      %eq3A_32 = arith.constant 8 : i32
      %eq3A_33 = arith.cmpi eq, %select_n3A_31, %eq3A_32 : i32
      %select_n3A_34 = arith.constant 0 : i32
      %select_n3A_35 = arith.select %eq3A_33, %select_n3A_34, %select_n3A_31 : i32
      %add3A_36 = arith.addi %select_n3A_35, %mul3A_6 : i32
      "tpu.trace_start"() <{level = 10 : i32, message = "ep_initialize_0"}> : () -> ()
      %rem3A = arith.constant 0 : i32
      %rem3A_37 = arith.constant 2 : i32
      %rem3A_38 = arith.remui %rem3A, %rem3A_37 : i32
      %mul3A_39 = arith.constant 8 : i32
      %mul3A_40 = arith.muli %mul3A_39, %add3A_11 : i32
      %dma_start3A = arith.constant 0 : i32
      %dma_start3A_41 = arith.constant 0 : i32
      %dma_start3A_42 = tpu.memref_slice %run_scoped3A[%rem3A_38, %dma_start3A, %dma_start3A_41] : memref<2x8x2048xf32, #tpu.memory_space<vmem>> -> memref<1x8x2048xf32, #tpu.memory_space<vmem>>
      %dma_start3A_43 = tpu.memref_squeeze %dma_start3A_42 : memref<1x8x2048xf32, #tpu.memory_space<vmem>> -> memref<8x2048xf32, #tpu.memory_space<vmem>>
      %dma_start3A_44 = arith.constant 0 : i32
      %dma_start3A_45 = tpu.memref_slice %arg2[%mul3A_40, %dma_start3A_44] : memref<2048x2048xf32, #tpu.memory_space<hbm>> -> memref<8x2048xf32, #tpu.memory_space<hbm>>
      %dma_start3A_46 = tpu.memref_slice %run_scoped3A_7[%rem3A_38] : memref<2x!tpu.dma_semaphore, #tpu.memory_space<semaphore_mem>> -> memref<1x!tpu.dma_semaphore, #tpu.memory_space<semaphore_mem>>
      %dma_start3A_47 = tpu.memref_squeeze %dma_start3A_46 : memref<1x!tpu.dma_semaphore, #tpu.memory_space<semaphore_mem>> -> memref<!tpu.dma_semaphore, #tpu.memory_space<semaphore_mem>>
      %dma_start3A_48 = arith.constant 0 : i32
      %dma_start3A_49 = arith.constant 0 : i32
      %dma_start3A_50 = tpu.memref_slice %run_scoped3A[%rem3A_38, %dma_start3A_48, %dma_start3A_49] : memref<2x8x2048xf32, #tpu.memory_space<vmem>> -> memref<1x8x2048xf32, #tpu.memory_space<vmem>>
      %dma_start3A_51 = tpu.memref_squeeze %dma_start3A_50 : memref<1x8x2048xf32, #tpu.memory_space<vmem>> -> memref<8x2048xf32, #tpu.memory_space<vmem>>
      %dma_start3A_52 = arith.constant 0 : i32
      %dma_start3A_53 = tpu.memref_slice %arg2[%mul3A_40, %dma_start3A_52] : memref<2048x2048xf32, #tpu.memory_space<hbm>> -> memref<8x2048xf32, #tpu.memory_space<hbm>>
      tpu.enqueue_dma source(%dma_start3A_53 : memref<8x2048xf32, #tpu.memory_space<hbm>>) target(%dma_start3A_51 : memref<8x2048xf32, #tpu.memory_space<vmem>>) target_semaphore(%dma_start3A_47 : memref<!tpu.dma_semaphore, #tpu.memory_space<semaphore_mem>>)
      %add3A_54 = arith.constant 0 : i32
      %add3A_55 = arith.constant 1 : i32
      %add3A_56 = arith.addi %add3A_54, %add3A_55 : i32
      %select_n3A_57 = arith.constant true
      %select_n3A_58 = arith.constant 0 : i32
      %select_n3A_59 = arith.select %select_n3A_57, %add3A_56, %select_n3A_58 : i32
      "tpu.trace_stop"() : () -> ()
      %scan3A = arith.constant 0 : i32
      %scan3A_60 = arith.constant 0 : i32
      %scan3A_61 = arith.constant 0 : i32
      %scan3A_62 = arith.constant 0 : i32
      %scan3A_63 = arith.constant 0 : i32
      %scan3A_64 = arith.constant 8 : i32
      %scan3A_65 = arith.addi %scan3A_63, %scan3A_64 : i32
      %scan3A_66 = arith.constant 1 : i32
      %scan3A_67:5 = scf.for %scan3A_121 = %scan3A_63 to %scan3A_65 step %scan3A_66 iter_args(%scan3A_122 = %select_n3A_59, %scan3A_123 = %scan3A, %scan3A_124 = %scan3A_60, %scan3A_125 = %scan3A_61, %scan3A_126 = %scan3A_62) -> (i32, i32, i32, i32, i32)  : i32 {
        %eq3A_127 = arith.constant 0 : i32
        %eq3A_128 = arith.cmpi eq, %scan3A_121, %eq3A_127 : i32
        %eq3A_129 = arith.constant 7 : i32
        %eq3A_130 = arith.cmpi eq, %scan3A_121, %eq3A_129 : i32
        %add3A_131 = arith.addi %scan3A_126, %mul3A_6 : i32
        %sub3A_132 = arith.constant 1 : i32
        %sub3A_133 = arith.subi %scan3A_126, %sub3A_132 : i32
        %select_n3A_134 = arith.constant true
        %select_n3A_135 = arith.select %select_n3A_134, %sub3A_133, %scan3A_126 : i32
        %eq3A_136 = arith.constant -1 : i32
        %eq3A_137 = arith.cmpi eq, %select_n3A_135, %eq3A_136 : i32
        %select_n3A_138 = arith.constant 7 : i32
        %select_n3A_139 = arith.select %eq3A_137, %select_n3A_138, %select_n3A_135 : i32
        %add3A_140 = arith.addi %select_n3A_139, %mul3A_6 : i32
        %add3A_141 = arith.constant 1 : i32
        %add3A_142 = arith.addi %scan3A_126, %add3A_141 : i32
        %select_n3A_143 = arith.constant true
        %select_n3A_144 = arith.select %select_n3A_143, %add3A_142, %scan3A_126 : i32
        %eq3A_145 = arith.constant 8 : i32
        %eq3A_146 = arith.cmpi eq, %select_n3A_144, %eq3A_145 : i32
        %select_n3A_147 = arith.constant 0 : i32
        %select_n3A_148 = arith.select %eq3A_146, %select_n3A_147, %select_n3A_144 : i32
        %add3A_149 = arith.addi %select_n3A_148, %mul3A_6 : i32
        %add3A_150 = arith.constant 1 : i32
        %add3A_151 = arith.addi %select_n3A_148, %add3A_150 : i32
        %select_n3A_152 = arith.constant true
        %select_n3A_153 = arith.select %select_n3A_152, %add3A_151, %select_n3A_148 : i32
        %eq3A_154 = arith.constant 8 : i32
        %eq3A_155 = arith.cmpi eq, %select_n3A_153, %eq3A_154 : i32
        %select_n3A_156 = arith.constant 0 : i32
        %select_n3A_157 = arith.select %eq3A_155, %select_n3A_156, %select_n3A_153 : i32
        %add3A_158 = arith.addi %select_n3A_157, %mul3A_6 : i32
        %ne3A = arith.cmpi ne, %add3A_131, %add3A_149 : i32
        %or3A = arith.constant false
        %or3A_159 = arith.ori %or3A, %ne3A : i1
        %or3A_160 = arith.constant false
        %or3A_161 = arith.ori %or3A_159, %or3A_160 : i1
        %ge3A = arith.constant 7 : i32
        %ge3A_162 = arith.cmpi sge, %scan3A_121, %ge3A : i32
        %not3A = arith.constant true
        %not3A_163 = arith.xori %ge3A_162, %not3A : i1
        %and3A = arith.andi %or3A_161, %not3A_163 : i1
        %convert_element_type3A = arith.extui %and3A : i1 to i32
        %cond3A = arith.constant 0 : i32
        %cond3A_164 = arith.cmpi ne, %convert_element_type3A, %cond3A : i32
        scf.if %cond3A_164 {
          "tpu.trace_start"() <{level = 10 : i32, message = "ep_copy_in"}> : () -> ()
          %rem3A_649 = arith.constant 2 : i32
          %rem3A_650 = arith.remui %scan3A_122, %rem3A_649 : i32
          %mul3A_651 = arith.constant 8 : i32
          %mul3A_652 = arith.muli %mul3A_651, %add3A_149 : i32
          %dma_start3A_653 = arith.constant 0 : i32
          %dma_start3A_654 = arith.constant 0 : i32
          %dma_start3A_655 = tpu.memref_slice %run_scoped3A[%rem3A_650, %dma_start3A_653, %dma_start3A_654] : memref<2x8x2048xf32, #tpu.memory_space<vmem>> -> memref<1x8x2048xf32, #tpu.memory_space<vmem>>
          %dma_start3A_656 = tpu.memref_squeeze %dma_start3A_655 : memref<1x8x2048xf32, #tpu.memory_space<vmem>> -> memref<8x2048xf32, #tpu.memory_space<vmem>>
          %dma_start3A_657 = arith.constant 0 : i32
          %dma_start3A_658 = tpu.memref_slice %arg2[%mul3A_652, %dma_start3A_657] : memref<2048x2048xf32, #tpu.memory_space<hbm>> -> memref<8x2048xf32, #tpu.memory_space<hbm>>
          %dma_start3A_659 = tpu.memref_slice %run_scoped3A_7[%rem3A_650] : memref<2x!tpu.dma_semaphore, #tpu.memory_space<semaphore_mem>> -> memref<1x!tpu.dma_semaphore, #tpu.memory_space<semaphore_mem>>
          %dma_start3A_660 = tpu.memref_squeeze %dma_start3A_659 : memref<1x!tpu.dma_semaphore, #tpu.memory_space<semaphore_mem>> -> memref<!tpu.dma_semaphore, #tpu.memory_space<semaphore_mem>>
          %dma_start3A_661 = arith.constant 0 : i32
          %dma_start3A_662 = arith.constant 0 : i32
          %dma_start3A_663 = tpu.memref_slice %run_scoped3A[%rem3A_650, %dma_start3A_661, %dma_start3A_662] : memref<2x8x2048xf32, #tpu.memory_space<vmem>> -> memref<1x8x2048xf32, #tpu.memory_space<vmem>>
          %dma_start3A_664 = tpu.memref_squeeze %dma_start3A_663 : memref<1x8x2048xf32, #tpu.memory_space<vmem>> -> memref<8x2048xf32, #tpu.memory_space<vmem>>
          %dma_start3A_665 = arith.constant 0 : i32
          %dma_start3A_666 = tpu.memref_slice %arg2[%mul3A_652, %dma_start3A_665] : memref<2048x2048xf32, #tpu.memory_space<hbm>> -> memref<8x2048xf32, #tpu.memory_space<hbm>>
          tpu.enqueue_dma source(%dma_start3A_666 : memref<8x2048xf32, #tpu.memory_space<hbm>>) target(%dma_start3A_664 : memref<8x2048xf32, #tpu.memory_space<vmem>>) target_semaphore(%dma_start3A_660 : memref<!tpu.dma_semaphore, #tpu.memory_space<semaphore_mem>>)
          "tpu.trace_stop"() : () -> ()
        } else {
        }
        %and3A_165 = arith.constant true
        %and3A_166 = arith.andi %and3A, %and3A_165 : i1
        %add3A_167 = arith.constant 1 : i32
        %add3A_168 = arith.addi %scan3A_122, %add3A_167 : i32
        %select_n3A_169 = arith.select %and3A_166, %add3A_168, %scan3A_122 : i32
        %ne3A_170 = arith.cmpi ne, %add3A_131, %add3A_149 : i32
        %or3A_171 = arith.constant false
        %or3A_172 = arith.ori %or3A_171, %ne3A_170 : i1
        %or3A_173 = arith.constant false
        %or3A_174 = arith.ori %or3A_172, %or3A_173 : i1
        %ge3A_175 = arith.constant 7 : i32
        %ge3A_176 = arith.cmpi sge, %scan3A_121, %ge3A_175 : i32
        %not3A_177 = arith.constant true
        %not3A_178 = arith.xori %ge3A_176, %not3A_177 : i1
        %and3A_179 = arith.andi %or3A_174, %not3A_178 : i1
        %ne3A_180 = arith.cmpi ne, %add3A_131, %add3A_140 : i32
        %or3A_181 = arith.constant false
        %or3A_182 = arith.ori %or3A_181, %ne3A_180 : i1
        %or3A_183 = arith.constant false
        %or3A_184 = arith.ori %or3A_182, %or3A_183 : i1
        %or3A_185 = arith.ori %or3A_184, %eq3A_128 : i1
        %convert_element_type3A_186 = arith.extui %or3A_185 : i1 to i32
        %cond3A_187 = arith.constant 0 : i32
        %cond3A_188 = arith.cmpi ne, %convert_element_type3A_186, %cond3A_187 : i32
        scf.if %cond3A_188 {
          "tpu.trace_start"() <{level = 10 : i32, message = "ep_wait_in"}> : () -> ()
          %mul3A_649 = arith.constant 8 : i32
          %mul3A_650 = arith.muli %mul3A_649, %add3A_131 : i32
          %rem3A_651 = arith.constant 2 : i32
          %rem3A_652 = arith.remui %scan3A_123, %rem3A_651 : i32
          %dma_wait3A_653 = arith.constant 0 : i32
          %dma_wait3A_654 = arith.constant 0 : i32
          %dma_wait3A_655 = tpu.memref_slice %run_scoped3A[%rem3A_652, %dma_wait3A_653, %dma_wait3A_654] : memref<2x8x2048xf32, #tpu.memory_space<vmem>> -> memref<1x8x2048xf32, #tpu.memory_space<vmem>>
          %dma_wait3A_656 = tpu.memref_squeeze %dma_wait3A_655 : memref<1x8x2048xf32, #tpu.memory_space<vmem>> -> memref<8x2048xf32, #tpu.memory_space<vmem>>
          %dma_wait3A_657 = arith.constant 0 : i32
          %dma_wait3A_658 = tpu.memref_slice %arg2[%mul3A_650, %dma_wait3A_657] : memref<2048x2048xf32, #tpu.memory_space<hbm>> -> memref<8x2048xf32, #tpu.memory_space<hbm>>
          %dma_wait3A_659 = tpu.memref_slice %run_scoped3A_7[%rem3A_652] : memref<2x!tpu.dma_semaphore, #tpu.memory_space<semaphore_mem>> -> memref<1x!tpu.dma_semaphore, #tpu.memory_space<semaphore_mem>>
          %dma_wait3A_660 = tpu.memref_squeeze %dma_wait3A_659 : memref<1x!tpu.dma_semaphore, #tpu.memory_space<semaphore_mem>> -> memref<!tpu.dma_semaphore, #tpu.memory_space<semaphore_mem>>
          %dma_wait3A_661 = arith.constant 0 : i32
          %dma_wait3A_662 = arith.constant 0 : i32
          %dma_wait3A_663 = tpu.memref_slice %run_scoped3A[%rem3A_652, %dma_wait3A_661, %dma_wait3A_662] : memref<2x8x2048xf32, #tpu.memory_space<vmem>> -> memref<1x8x2048xf32, #tpu.memory_space<vmem>>
          %dma_wait3A_664 = tpu.memref_squeeze %dma_wait3A_663 : memref<1x8x2048xf32, #tpu.memory_space<vmem>> -> memref<8x2048xf32, #tpu.memory_space<vmem>>
          %dma_wait3A_665 = arith.constant 0 : i32
          %dma_wait3A_666 = tpu.memref_slice %arg2[%mul3A_650, %dma_wait3A_665] : memref<2048x2048xf32, #tpu.memory_space<hbm>> -> memref<8x2048xf32, #tpu.memory_space<hbm>>
          tpu.wait_dma2 semaphore(%dma_wait3A_660 : memref<!tpu.dma_semaphore, #tpu.memory_space<semaphore_mem>>) src(%dma_wait3A_666 : memref<8x2048xf32, #tpu.memory_space<hbm>>) dst(%dma_wait3A_664 : memref<8x2048xf32, #tpu.memory_space<vmem>>)
          "tpu.trace_stop"() : () -> ()
        } else {
        }
        %ne3A_189 = arith.cmpi ne, %add3A_131, %add3A_140 : i32
        %or3A_190 = arith.constant false
        %or3A_191 = arith.ori %or3A_190, %ne3A_189 : i1
        %or3A_192 = arith.constant false
        %or3A_193 = arith.ori %or3A_191, %or3A_192 : i1
        %or3A_194 = arith.ori %or3A_193, %eq3A_128 : i1
        %convert_element_type3A_195 = arith.extui %or3A_194 : i1 to i32
        %cond3A_196 = arith.constant 0 : i32
        %cond3A_197 = arith.cmpi ne, %convert_element_type3A_195, %cond3A_196 : i32
        scf.if %cond3A_197 {
        } else {
        }
        %rem3A_198 = arith.constant 2 : i32
        %rem3A_199 = arith.remui %scan3A_123, %rem3A_198 : i32
        %rem3A_200 = arith.constant 2 : i32
        %rem3A_201 = arith.remui %scan3A_124, %rem3A_200 : i32
        %get3A = arith.constant 0 : i32
        "tpu.trace_start"() <{level = 10 : i32, message = "ep_run_kernel"}> : () -> ()
        %get3A_202 = arith.constant 0 : i32
        %get3A_203 = arith.constant 0 : i32
        %get3A_204 = tpu.memref_slice %run_scoped3A[%rem3A_199, %get3A_202, %get3A_203] : memref<2x8x2048xf32, #tpu.memory_space<vmem>> -> memref<1x8x2048xf32, #tpu.memory_space<vmem>>
        %get3A_205 = tpu.memref_squeeze %get3A_204 : memref<1x8x2048xf32, #tpu.memory_space<vmem>> -> memref<8x2048xf32, #tpu.memory_space<vmem>>
        %get3A_206 = arith.index_cast %get3A : i32 to index
        %get3A_207 = arith.constant 0 : index
        %get3A_208 = tpu.vector_load %get3A_205[%get3A_206, %get3A_207] {strides = array<i32>} : memref<8x2048xf32, #tpu.memory_space<vmem>>, vector<16xf32>,
        %sort3A = arith.constant dense<true> : vector<16xi1>
        %sort3A_209, %sort3A_210, %sort3A_211 = tpu.sort %get3A_208, %get3A_208 masked %sort3A : (vector<16xf32>, vector<16xf32>, vector<16xi1>) -> (vector<16xi1>, vector<16xf32>, vector<16xf32>)
        %get3A_212 = arith.constant 0 : i32
        %get3A_213 = arith.constant 0 : i32
        %get3A_214 = arith.constant 0 : i32
        %get3A_215 = tpu.memref_slice %run_scoped3A[%rem3A_199, %get3A_213, %get3A_214] : memref<2x8x2048xf32, #tpu.memory_space<vmem>> -> memref<1x8x2048xf32, #tpu.memory_space<vmem>>
        %get3A_216 = tpu.memref_squeeze %get3A_215 : memref<1x8x2048xf32, #tpu.memory_space<vmem>> -> memref<8x2048xf32, #tpu.memory_space<vmem>>
        %get3A_217 = arith.index_cast %get3A_212 : i32 to index
        %get3A_218 = arith.constant 16 : index
        %get3A_219 = tpu.vector_load %get3A_216[%get3A_217, %get3A_218] {strides = array<i32>} : memref<8x2048xf32, #tpu.memory_space<vmem>>, vector<16xf32>,
        %sort3A_220 = arith.constant dense<true> : vector<16xi1>
        %sort3A_221, %sort3A_222, %sort3A_223 = tpu.sort %get3A_219, %get3A_219 masked %sort3A_220 : (vector<16xf32>, vector<16xf32>, vector<16xi1>) -> (vector<16xi1>, vector<16xf32>, vector<16xf32>)
        %rev3A = arith.constant 15 : i32
        %rev3A_224 = vector.broadcast %rev3A : i32 to vector<16xi32>
        %rev3A_225 = tpu.iota {dimensions = array<i32: 0>} : vector<16xi32>
        %rev3A_226 = arith.subi %rev3A_224, %rev3A_225 : vector<16xi32>
        %rev3A_227 = tpu.dynamic_gather %sort3A_222[%rev3A_226] in [0] : vector<16xf32>, vector<16xi32> -> vector<16xf32>
        %min3A = arith.minimumf %sort3A_210, %rev3A_227 : vector<16xf32>
        %max3A = arith.maximumf %sort3A_210, %rev3A_227 : vector<16xf32>
        %sort3A_228 = arith.constant dense<true> : vector<16xi1>
        %sort3A_229, %sort3A_230, %sort3A_231 = tpu.sort %min3A, %min3A masked %sort3A_228 : (vector<16xf32>, vector<16xf32>, vector<16xi1>) -> (vector<16xi1>, vector<16xf32>, vector<16xf32>)
        %sort3A_232 = arith.constant dense<true> : vector<16xi1>
        %sort3A_233, %sort3A_234, %sort3A_235 = tpu.sort %max3A, %max3A masked %sort3A_232 : (vector<16xf32>, vector<16xf32>, vector<16xi1>) -> (vector<16xi1>, vector<16xf32>, vector<16xf32>)
        %get3A_236 = arith.constant 1 : i32
        %get3A_237 = arith.constant 0 : i32
        %get3A_238 = arith.constant 0 : i32
        %get3A_239 = tpu.memref_slice %run_scoped3A[%rem3A_199, %get3A_237, %get3A_238] : memref<2x8x2048xf32, #tpu.memory_space<vmem>> -> memref<1x8x2048xf32, #tpu.memory_space<vmem>>
        %get3A_240 = tpu.memref_squeeze %get3A_239 : memref<1x8x2048xf32, #tpu.memory_space<vmem>> -> memref<8x2048xf32, #tpu.memory_space<vmem>>
        %get3A_241 = arith.index_cast %get3A_236 : i32 to index
        %get3A_242 = arith.constant 0 : index
        %get3A_243 = tpu.vector_load %get3A_240[%get3A_241, %get3A_242] {strides = array<i32>} : memref<8x2048xf32, #tpu.memory_space<vmem>>, vector<16xf32>,
        %sort3A_244 = arith.constant dense<true> : vector<16xi1>
        %sort3A_245, %sort3A_246, %sort3A_247 = tpu.sort %get3A_243, %get3A_243 masked %sort3A_244 : (vector<16xf32>, vector<16xf32>, vector<16xi1>) -> (vector<16xi1>, vector<16xf32>, vector<16xf32>)
        %get3A_248 = arith.constant 1 : i32
        %get3A_249 = arith.constant 0 : i32
        %get3A_250 = arith.constant 0 : i32
        %get3A_251 = tpu.memref_slice %run_scoped3A[%rem3A_199, %get3A_249, %get3A_250] : memref<2x8x2048xf32, #tpu.memory_space<vmem>> -> memref<1x8x2048xf32, #tpu.memory_space<vmem>>
        %get3A_252 = tpu.memref_squeeze %get3A_251 : memref<1x8x2048xf32, #tpu.memory_space<vmem>> -> memref<8x2048xf32, #tpu.memory_space<vmem>>
        %get3A_253 = arith.index_cast %get3A_248 : i32 to index
        %get3A_254 = arith.constant 16 : index
        %get3A_255 = tpu.vector_load %get3A_252[%get3A_253, %get3A_254] {strides = array<i32>} : memref<8x2048xf32, #tpu.memory_space<vmem>>, vector<16xf32>,
        %sort3A_256 = arith.constant dense<true> : vector<16xi1>
        %sort3A_257, %sort3A_258, %sort3A_259 = tpu.sort %get3A_255, %get3A_255 masked %sort3A_256 : (vector<16xf32>, vector<16xf32>, vector<16xi1>) -> (vector<16xi1>, vector<16xf32>, vector<16xf32>)
        %rev3A_260 = arith.constant 15 : i32
        %rev3A_261 = vector.broadcast %rev3A_260 : i32 to vector<16xi32>
        %rev3A_262 = tpu.iota {dimensions = array<i32: 0>} : vector<16xi32>
        %rev3A_263 = arith.subi %rev3A_261, %rev3A_262 : vector<16xi32>
        %rev3A_264 = tpu.dynamic_gather %sort3A_258[%rev3A_263] in [0] : vector<16xf32>, vector<16xi32> -> vector<16xf32>
        %min3A_265 = arith.minimumf %sort3A_246, %rev3A_264 : vector<16xf32>
        %max3A_266 = arith.maximumf %sort3A_246, %rev3A_264 : vector<16xf32>
        %sort3A_267 = arith.constant dense<true> : vector<16xi1>
        %sort3A_268, %sort3A_269, %sort3A_270 = tpu.sort %min3A_265, %min3A_265 masked %sort3A_267 : (vector<16xf32>, vector<16xf32>, vector<16xi1>) -> (vector<16xi1>, vector<16xf32>, vector<16xf32>)
        %sort3A_271 = arith.constant dense<true> : vector<16xi1>
        %sort3A_272, %sort3A_273, %sort3A_274 = tpu.sort %max3A_266, %max3A_266 masked %sort3A_271 : (vector<16xf32>, vector<16xf32>, vector<16xi1>) -> (vector<16xi1>, vector<16xf32>, vector<16xf32>)
        %get3A_275 = arith.constant 2 : i32
        %get3A_276 = arith.constant 0 : i32
        %get3A_277 = arith.constant 0 : i32
        %get3A_278 = tpu.memref_slice %run_scoped3A[%rem3A_199, %get3A_276, %get3A_277] : memref<2x8x2048xf32, #tpu.memory_space<vmem>> -> memref<1x8x2048xf32, #tpu.memory_space<vmem>>
        %get3A_279 = tpu.memref_squeeze %get3A_278 : memref<1x8x2048xf32, #tpu.memory_space<vmem>> -> memref<8x2048xf32, #tpu.memory_space<vmem>>
        %get3A_280 = arith.index_cast %get3A_275 : i32 to index
        %get3A_281 = arith.constant 0 : index
        %get3A_282 = tpu.vector_load %get3A_279[%get3A_280, %get3A_281] {strides = array<i32>} : memref<8x2048xf32, #tpu.memory_space<vmem>>, vector<16xf32>,
        %sort3A_283 = arith.constant dense<true> : vector<16xi1>
        %sort3A_284, %sort3A_285, %sort3A_286 = tpu.sort %get3A_282, %get3A_282 masked %sort3A_283 : (vector<16xf32>, vector<16xf32>, vector<16xi1>) -> (vector<16xi1>, vector<16xf32>, vector<16xf32>)
        %get3A_287 = arith.constant 2 : i32
        %get3A_288 = arith.constant 0 : i32
        %get3A_289 = arith.constant 0 : i32
        %get3A_290 = tpu.memref_slice %run_scoped3A[%rem3A_199, %get3A_288, %get3A_289] : memref<2x8x2048xf32, #tpu.memory_space<vmem>> -> memref<1x8x2048xf32, #tpu.memory_space<vmem>>
        %get3A_291 = tpu.memref_squeeze %get3A_290 : memref<1x8x2048xf32, #tpu.memory_space<vmem>> -> memref<8x2048xf32, #tpu.memory_space<vmem>>
        %get3A_292 = arith.index_cast %get3A_287 : i32 to index
        %get3A_293 = arith.constant 16 : index
        %get3A_294 = tpu.vector_load %get3A_291[%get3A_292, %get3A_293] {strides = array<i32>} : memref<8x2048xf32, #tpu.memory_space<vmem>>, vector<16xf32>,
        %sort3A_295 = arith.constant dense<true> : vector<16xi1>
        %sort3A_296, %sort3A_297, %sort3A_298 = tpu.sort %get3A_294, %get3A_294 masked %sort3A_295 : (vector<16xf32>, vector<16xf32>, vector<16xi1>) -> (vector<16xi1>, vector<16xf32>, vector<16xf32>)
        %rev3A_299 = arith.constant 15 : i32
        %rev3A_300 = vector.broadcast %rev3A_299 : i32 to vector<16xi32>
        %rev3A_301 = tpu.iota {dimensions = array<i32: 0>} : vector<16xi32>
        %rev3A_302 = arith.subi %rev3A_300, %rev3A_301 : vector<16xi32>
        %rev3A_303 = tpu.dynamic_gather %sort3A_297[%rev3A_302] in [0] : vector<16xf32>, vector<16xi32> -> vector<16xf32>
        %min3A_304 = arith.minimumf %sort3A_285, %rev3A_303 : vector<16xf32>
        %max3A_305 = arith.maximumf %sort3A_285, %rev3A_303 : vector<16xf32>
        %sort3A_306 = arith.constant dense<true> : vector<16xi1>
        %sort3A_307, %sort3A_308, %sort3A_309 = tpu.sort %min3A_304, %min3A_304 masked %sort3A_306 : (vector<16xf32>, vector<16xf32>, vector<16xi1>) -> (vector<16xi1>, vector<16xf32>, vector<16xf32>)
        %sort3A_310 = arith.constant dense<true> : vector<16xi1>
        %sort3A_311, %sort3A_312, %sort3A_313 = tpu.sort %max3A_305, %max3A_305 masked %sort3A_310 : (vector<16xf32>, vector<16xf32>, vector<16xi1>) -> (vector<16xi1>, vector<16xf32>, vector<16xf32>)
        %get3A_314 = arith.constant 3 : i32
        %get3A_315 = arith.constant 0 : i32
        %get3A_316 = arith.constant 0 : i32
        %get3A_317 = tpu.memref_slice %run_scoped3A[%rem3A_199, %get3A_315, %get3A_316] : memref<2x8x2048xf32, #tpu.memory_space<vmem>> -> memref<1x8x2048xf32, #tpu.memory_space<vmem>>
        %get3A_318 = tpu.memref_squeeze %get3A_317 : memref<1x8x2048xf32, #tpu.memory_space<vmem>> -> memref<8x2048xf32, #tpu.memory_space<vmem>>
        %get3A_319 = arith.index_cast %get3A_314 : i32 to index
        %get3A_320 = arith.constant 0 : index
        %get3A_321 = tpu.vector_load %get3A_318[%get3A_319, %get3A_320] {strides = array<i32>} : memref<8x2048xf32, #tpu.memory_space<vmem>>, vector<16xf32>,
        %sort3A_322 = arith.constant dense<true> : vector<16xi1>
        %sort3A_323, %sort3A_324, %sort3A_325 = tpu.sort %get3A_321, %get3A_321 masked %sort3A_322 : (vector<16xf32>, vector<16xf32>, vector<16xi1>) -> (vector<16xi1>, vector<16xf32>, vector<16xf32>)
        %get3A_326 = arith.constant 3 : i32
        %get3A_327 = arith.constant 0 : i32
        %get3A_328 = arith.constant 0 : i32
        %get3A_329 = tpu.memref_slice %run_scoped3A[%rem3A_199, %get3A_327, %get3A_328] : memref<2x8x2048xf32, #tpu.memory_space<vmem>> -> memref<1x8x2048xf32, #tpu.memory_space<vmem>>
        %get3A_330 = tpu.memref_squeeze %get3A_329 : memref<1x8x2048xf32, #tpu.memory_space<vmem>> -> memref<8x2048xf32, #tpu.memory_space<vmem>>
        %get3A_331 = arith.index_cast %get3A_326 : i32 to index
        %get3A_332 = arith.constant 16 : index
        %get3A_333 = tpu.vector_load %get3A_330[%get3A_331, %get3A_332] {strides = array<i32>} : memref<8x2048xf32, #tpu.memory_space<vmem>>, vector<16xf32>,
        %sort3A_334 = arith.constant dense<true> : vector<16xi1>
        %sort3A_335, %sort3A_336, %sort3A_337 = tpu.sort %get3A_333, %get3A_333 masked %sort3A_334 : (vector<16xf32>, vector<16xf32>, vector<16xi1>) -> (vector<16xi1>, vector<16xf32>, vector<16xf32>)
        %rev3A_338 = arith.constant 15 : i32
        %rev3A_339 = vector.broadcast %rev3A_338 : i32 to vector<16xi32>
        %rev3A_340 = tpu.iota {dimensions = array<i32: 0>} : vector<16xi32>
        %rev3A_341 = arith.subi %rev3A_339, %rev3A_340 : vector<16xi32>
        %rev3A_342 = tpu.dynamic_gather %sort3A_336[%rev3A_341] in [0] : vector<16xf32>, vector<16xi32> -> vector<16xf32>
        %min3A_343 = arith.minimumf %sort3A_324, %rev3A_342 : vector<16xf32>
        %max3A_344 = arith.maximumf %sort3A_324, %rev3A_342 : vector<16xf32>
        %sort3A_345 = arith.constant dense<true> : vector<16xi1>
        %sort3A_346, %sort3A_347, %sort3A_348 = tpu.sort %min3A_343, %min3A_343 masked %sort3A_345 : (vector<16xf32>, vector<16xf32>, vector<16xi1>) -> (vector<16xi1>, vector<16xf32>, vector<16xf32>)
        %sort3A_349 = arith.constant dense<true> : vector<16xi1>
        %sort3A_350, %sort3A_351, %sort3A_352 = tpu.sort %max3A_344, %max3A_344 masked %sort3A_349 : (vector<16xf32>, vector<16xf32>, vector<16xi1>) -> (vector<16xi1>, vector<16xf32>, vector<16xf32>)
        %get3A_353 = arith.constant 4 : i32
        %get3A_354 = arith.constant 0 : i32
        %get3A_355 = arith.constant 0 : i32
        %get3A_356 = tpu.memref_slice %run_scoped3A[%rem3A_199, %get3A_354, %get3A_355] : memref<2x8x2048xf32, #tpu.memory_space<vmem>> -> memref<1x8x2048xf32, #tpu.memory_space<vmem>>
        %get3A_357 = tpu.memref_squeeze %get3A_356 : memref<1x8x2048xf32, #tpu.memory_space<vmem>> -> memref<8x2048xf32, #tpu.memory_space<vmem>>
        %get3A_358 = arith.index_cast %get3A_353 : i32 to index
        %get3A_359 = arith.constant 0 : index
        %get3A_360 = tpu.vector_load %get3A_357[%get3A_358, %get3A_359] {strides = array<i32>} : memref<8x2048xf32, #tpu.memory_space<vmem>>, vector<16xf32>,
        %sort3A_361 = arith.constant dense<true> : vector<16xi1>
        %sort3A_362, %sort3A_363, %sort3A_364 = tpu.sort %get3A_360, %get3A_360 masked %sort3A_361 : (vector<16xf32>, vector<16xf32>, vector<16xi1>) -> (vector<16xi1>, vector<16xf32>, vector<16xf32>)
        %get3A_365 = arith.constant 4 : i32
        %get3A_366 = arith.constant 0 : i32
        %get3A_367 = arith.constant 0 : i32
        %get3A_368 = tpu.memref_slice %run_scoped3A[%rem3A_199, %get3A_366, %get3A_367] : memref<2x8x2048xf32, #tpu.memory_space<vmem>> -> memref<1x8x2048xf32, #tpu.memory_space<vmem>>
        %get3A_369 = tpu.memref_squeeze %get3A_368 : memref<1x8x2048xf32, #tpu.memory_space<vmem>> -> memref<8x2048xf32, #tpu.memory_space<vmem>>
        %get3A_370 = arith.index_cast %get3A_365 : i32 to index
        %get3A_371 = arith.constant 16 : index
        %get3A_372 = tpu.vector_load %get3A_369[%get3A_370, %get3A_371] {strides = array<i32>} : memref<8x2048xf32, #tpu.memory_space<vmem>>, vector<16xf32>,
        %sort3A_373 = arith.constant dense<true> : vector<16xi1>
        %sort3A_374, %sort3A_375, %sort3A_376 = tpu.sort %get3A_372, %get3A_372 masked %sort3A_373 : (vector<16xf32>, vector<16xf32>, vector<16xi1>) -> (vector<16xi1>, vector<16xf32>, vector<16xf32>)
        %rev3A_377 = arith.constant 15 : i32
        %rev3A_378 = vector.broadcast %rev3A_377 : i32 to vector<16xi32>
        %rev3A_379 = tpu.iota {dimensions = array<i32: 0>} : vector<16xi32>
        %rev3A_380 = arith.subi %rev3A_378, %rev3A_379 : vector<16xi32>
        %rev3A_381 = tpu.dynamic_gather %sort3A_375[%rev3A_380] in [0] : vector<16xf32>, vector<16xi32> -> vector<16xf32>
        %min3A_382 = arith.minimumf %sort3A_363, %rev3A_381 : vector<16xf32>
        %max3A_383 = arith.maximumf %sort3A_363, %rev3A_381 : vector<16xf32>
        %sort3A_384 = arith.constant dense<true> : vector<16xi1>
        %sort3A_385, %sort3A_386, %sort3A_387 = tpu.sort %min3A_382, %min3A_382 masked %sort3A_384 : (vector<16xf32>, vector<16xf32>, vector<16xi1>) -> (vector<16xi1>, vector<16xf32>, vector<16xf32>)
        %sort3A_388 = arith.constant dense<true> : vector<16xi1>
        %sort3A_389, %sort3A_390, %sort3A_391 = tpu.sort %max3A_383, %max3A_383 masked %sort3A_388 : (vector<16xf32>, vector<16xf32>, vector<16xi1>) -> (vector<16xi1>, vector<16xf32>, vector<16xf32>)
        %get3A_392 = arith.constant 5 : i32
        %get3A_393 = arith.constant 0 : i32
        %get3A_394 = arith.constant 0 : i32
        %get3A_395 = tpu.memref_slice %run_scoped3A[%rem3A_199, %get3A_393, %get3A_394] : memref<2x8x2048xf32, #tpu.memory_space<vmem>> -> memref<1x8x2048xf32, #tpu.memory_space<vmem>>
        %get3A_396 = tpu.memref_squeeze %get3A_395 : memref<1x8x2048xf32, #tpu.memory_space<vmem>> -> memref<8x2048xf32, #tpu.memory_space<vmem>>
        %get3A_397 = arith.index_cast %get3A_392 : i32 to index
        %get3A_398 = arith.constant 0 : index
        %get3A_399 = tpu.vector_load %get3A_396[%get3A_397, %get3A_398] {strides = array<i32>} : memref<8x2048xf32, #tpu.memory_space<vmem>>, vector<16xf32>,
        %sort3A_400 = arith.constant dense<true> : vector<16xi1>
        %sort3A_401, %sort3A_402, %sort3A_403 = tpu.sort %get3A_399, %get3A_399 masked %sort3A_400 : (vector<16xf32>, vector<16xf32>, vector<16xi1>) -> (vector<16xi1>, vector<16xf32>, vector<16xf32>)
        %get3A_404 = arith.constant 5 : i32
        %get3A_405 = arith.constant 0 : i32
        %get3A_406 = arith.constant 0 : i32
        %get3A_407 = tpu.memref_slice %run_scoped3A[%rem3A_199, %get3A_405, %get3A_406] : memref<2x8x2048xf32, #tpu.memory_space<vmem>> -> memref<1x8x2048xf32, #tpu.memory_space<vmem>>
        %get3A_408 = tpu.memref_squeeze %get3A_407 : memref<1x8x2048xf32, #tpu.memory_space<vmem>> -> memref<8x2048xf32, #tpu.memory_space<vmem>>
        %get3A_409 = arith.index_cast %get3A_404 : i32 to index
        %get3A_410 = arith.constant 16 : index
        %get3A_411 = tpu.vector_load %get3A_408[%get3A_409, %get3A_410] {strides = array<i32>} : memref<8x2048xf32, #tpu.memory_space<vmem>>, vector<16xf32>,
        %sort3A_412 = arith.constant dense<true> : vector<16xi1>
        %sort3A_413, %sort3A_414, %sort3A_415 = tpu.sort %get3A_411, %get3A_411 masked %sort3A_412 : (vector<16xf32>, vector<16xf32>, vector<16xi1>) -> (vector<16xi1>, vector<16xf32>, vector<16xf32>)
        %rev3A_416 = arith.constant 15 : i32
        %rev3A_417 = vector.broadcast %rev3A_416 : i32 to vector<16xi32>
        %rev3A_418 = tpu.iota {dimensions = array<i32: 0>} : vector<16xi32>
        %rev3A_419 = arith.subi %rev3A_417, %rev3A_418 : vector<16xi32>
        %rev3A_420 = tpu.dynamic_gather %sort3A_414[%rev3A_419] in [0] : vector<16xf32>, vector<16xi32> -> vector<16xf32>
        %min3A_421 = arith.minimumf %sort3A_402, %rev3A_420 : vector<16xf32>
        %max3A_422 = arith.maximumf %sort3A_402, %rev3A_420 : vector<16xf32>
        %sort3A_423 = arith.constant dense<true> : vector<16xi1>
        %sort3A_424, %sort3A_425, %sort3A_426 = tpu.sort %min3A_421, %min3A_421 masked %sort3A_423 : (vector<16xf32>, vector<16xf32>, vector<16xi1>) -> (vector<16xi1>, vector<16xf32>, vector<16xf32>)
        %sort3A_427 = arith.constant dense<true> : vector<16xi1>
        %sort3A_428, %sort3A_429, %sort3A_430 = tpu.sort %max3A_422, %max3A_422 masked %sort3A_427 : (vector<16xf32>, vector<16xf32>, vector<16xi1>) -> (vector<16xi1>, vector<16xf32>, vector<16xf32>)
        %get3A_431 = arith.constant 6 : i32
        %get3A_432 = arith.constant 0 : i32
        %get3A_433 = arith.constant 0 : i32
        %get3A_434 = tpu.memref_slice %run_scoped3A[%rem3A_199, %get3A_432, %get3A_433] : memref<2x8x2048xf32, #tpu.memory_space<vmem>> -> memref<1x8x2048xf32, #tpu.memory_space<vmem>>
        %get3A_435 = tpu.memref_squeeze %get3A_434 : memref<1x8x2048xf32, #tpu.memory_space<vmem>> -> memref<8x2048xf32, #tpu.memory_space<vmem>>
        %get3A_436 = arith.index_cast %get3A_431 : i32 to index
        %get3A_437 = arith.constant 0 : index
        %get3A_438 = tpu.vector_load %get3A_435[%get3A_436, %get3A_437] {strides = array<i32>} : memref<8x2048xf32, #tpu.memory_space<vmem>>, vector<16xf32>,
        %sort3A_439 = arith.constant dense<true> : vector<16xi1>
        %sort3A_440, %sort3A_441, %sort3A_442 = tpu.sort %get3A_438, %get3A_438 masked %sort3A_439 : (vector<16xf32>, vector<16xf32>, vector<16xi1>) -> (vector<16xi1>, vector<16xf32>, vector<16xf32>)
        %get3A_443 = arith.constant 6 : i32
        %get3A_444 = arith.constant 0 : i32
        %get3A_445 = arith.constant 0 : i32
        %get3A_446 = tpu.memref_slice %run_scoped3A[%rem3A_199, %get3A_444, %get3A_445] : memref<2x8x2048xf32, #tpu.memory_space<vmem>> -> memref<1x8x2048xf32, #tpu.memory_space<vmem>>
        %get3A_447 = tpu.memref_squeeze %get3A_446 : memref<1x8x2048xf32, #tpu.memory_space<vmem>> -> memref<8x2048xf32, #tpu.memory_space<vmem>>
        %get3A_448 = arith.index_cast %get3A_443 : i32 to index
        %get3A_449 = arith.constant 16 : index
        %get3A_450 = tpu.vector_load %get3A_447[%get3A_448, %get3A_449] {strides = array<i32>} : memref<8x2048xf32, #tpu.memory_space<vmem>>, vector<16xf32>,
        %sort3A_451 = arith.constant dense<true> : vector<16xi1>
        %sort3A_452, %sort3A_453, %sort3A_454 = tpu.sort %get3A_450, %get3A_450 masked %sort3A_451 : (vector<16xf32>, vector<16xf32>, vector<16xi1>) -> (vector<16xi1>, vector<16xf32>, vector<16xf32>)
        %rev3A_455 = arith.constant 15 : i32
        %rev3A_456 = vector.broadcast %rev3A_455 : i32 to vector<16xi32>
        %rev3A_457 = tpu.iota {dimensions = array<i32: 0>} : vector<16xi32>
        %rev3A_458 = arith.subi %rev3A_456, %rev3A_457 : vector<16xi32>
        %rev3A_459 = tpu.dynamic_gather %sort3A_453[%rev3A_458] in [0] : vector<16xf32>, vector<16xi32> -> vector<16xf32>
        %min3A_460 = arith.minimumf %sort3A_441, %rev3A_459 : vector<16xf32>
        %max3A_461 = arith.maximumf %sort3A_441, %rev3A_459 : vector<16xf32>
        %sort3A_462 = arith.constant dense<true> : vector<16xi1>
        %sort3A_463, %sort3A_464, %sort3A_465 = tpu.sort %min3A_460, %min3A_460 masked %sort3A_462 : (vector<16xf32>, vector<16xf32>, vector<16xi1>) -> (vector<16xi1>, vector<16xf32>, vector<16xf32>)
        %sort3A_466 = arith.constant dense<true> : vector<16xi1>
        %sort3A_467, %sort3A_468, %sort3A_469 = tpu.sort %max3A_461, %max3A_461 masked %sort3A_466 : (vector<16xf32>, vector<16xf32>, vector<16xi1>) -> (vector<16xi1>, vector<16xf32>, vector<16xf32>)
        %get3A_470 = arith.constant 7 : i32
        %get3A_471 = arith.constant 0 : i32
        %get3A_472 = arith.constant 0 : i32
        %get3A_473 = tpu.memref_slice %run_scoped3A[%rem3A_199, %get3A_471, %get3A_472] : memref<2x8x2048xf32, #tpu.memory_space<vmem>> -> memref<1x8x2048xf32, #tpu.memory_space<vmem>>
        %get3A_474 = tpu.memref_squeeze %get3A_473 : memref<1x8x2048xf32, #tpu.memory_space<vmem>> -> memref<8x2048xf32, #tpu.memory_space<vmem>>
        %get3A_475 = arith.index_cast %get3A_470 : i32 to index
        %get3A_476 = arith.constant 0 : index
        %get3A_477 = tpu.vector_load %get3A_474[%get3A_475, %get3A_476] {strides = array<i32>} : memref<8x2048xf32, #tpu.memory_space<vmem>>, vector<16xf32>,
        %sort3A_478 = arith.constant dense<true> : vector<16xi1>
        %sort3A_479, %sort3A_480, %sort3A_481 = tpu.sort %get3A_477, %get3A_477 masked %sort3A_478 : (vector<16xf32>, vector<16xf32>, vector<16xi1>) -> (vector<16xi1>, vector<16xf32>, vector<16xf32>)
        %get3A_482 = arith.constant 7 : i32
        %get3A_483 = arith.constant 0 : i32
        %get3A_484 = arith.constant 0 : i32
        %get3A_485 = tpu.memref_slice %run_scoped3A[%rem3A_199, %get3A_483, %get3A_484] : memref<2x8x2048xf32, #tpu.memory_space<vmem>> -> memref<1x8x2048xf32, #tpu.memory_space<vmem>>
        %get3A_486 = tpu.memref_squeeze %get3A_485 : memref<1x8x2048xf32, #tpu.memory_space<vmem>> -> memref<8x2048xf32, #tpu.memory_space<vmem>>
        %get3A_487 = arith.index_cast %get3A_482 : i32 to index
        %get3A_488 = arith.constant 16 : index
        %get3A_489 = tpu.vector_load %get3A_486[%get3A_487, %get3A_488] {strides = array<i32>} : memref<8x2048xf32, #tpu.memory_space<vmem>>, vector<16xf32>,
        %sort3A_490 = arith.constant dense<true> : vector<16xi1>
        %sort3A_491, %sort3A_492, %sort3A_493 = tpu.sort %get3A_489, %get3A_489 masked %sort3A_490 : (vector<16xf32>, vector<16xf32>, vector<16xi1>) -> (vector<16xi1>, vector<16xf32>, vector<16xf32>)
        %rev3A_494 = arith.constant 15 : i32
        %rev3A_495 = vector.broadcast %rev3A_494 : i32 to vector<16xi32>
        %rev3A_496 = tpu.iota {dimensions = array<i32: 0>} : vector<16xi32>
        %rev3A_497 = arith.subi %rev3A_495, %rev3A_496 : vector<16xi32>
        %rev3A_498 = tpu.dynamic_gather %sort3A_492[%rev3A_497] in [0] : vector<16xf32>, vector<16xi32> -> vector<16xf32>
        %min3A_499 = arith.minimumf %sort3A_480, %rev3A_498 : vector<16xf32>
        %max3A_500 = arith.maximumf %sort3A_480, %rev3A_498 : vector<16xf32>
        %sort3A_501 = arith.constant dense<true> : vector<16xi1>
        %sort3A_502, %sort3A_503, %sort3A_504 = tpu.sort %min3A_499, %min3A_499 masked %sort3A_501 : (vector<16xf32>, vector<16xf32>, vector<16xi1>) -> (vector<16xi1>, vector<16xf32>, vector<16xf32>)
        %sort3A_505 = arith.constant dense<true> : vector<16xi1>
        %sort3A_506, %sort3A_507, %sort3A_508 = tpu.sort %max3A_500, %max3A_500 masked %sort3A_505 : (vector<16xf32>, vector<16xf32>, vector<16xi1>) -> (vector<16xi1>, vector<16xf32>, vector<16xf32>)
        %scan3A_509 = arith.constant 2 : i32
        %scan3A_510 = arith.constant 126 : i32
        %scan3A_511 = arith.addi %scan3A_509, %scan3A_510 : i32
        %scan3A_512 = arith.constant 1 : i32
        %scan3A_513:16 = scf.for %scan3A_649 = %scan3A_509 to %scan3A_511 step %scan3A_512 iter_args(%scan3A_650 = %sort3A_230, %scan3A_651 = %sort3A_234, %scan3A_652 = %sort3A_269, %scan3A_653 = %sort3A_273, %scan3A_654 = %sort3A_308, %scan3A_655 = %sort3A_312, %scan3A_656 = %sort3A_347, %scan3A_657 = %sort3A_351, %scan3A_658 = %sort3A_386, %scan3A_659 = %sort3A_390, %scan3A_660 = %sort3A_425, %scan3A_661 = %sort3A_429, %scan3A_662 = %sort3A_464, %scan3A_663 = %sort3A_468, %scan3A_664 = %sort3A_503, %scan3A_665 = %sort3A_507) -> (vector<16xf32>, vector<16xf32>, vector<16xf32>, vector<16xf32>, vector<16xf32>, vector<16xf32>, vector<16xf32>, vector<16xf32>, vector<16xf32>, vector<16xf32>, vector<16xf32>, vector<16xf32>, vector<16xf32>, vector<16xf32>, vector<16xf32>, vector<16xf32>)  : i32 {
          %mul3A_666 = arith.constant 16 : i32
          %mul3A_667 = arith.muli %scan3A_649, %mul3A_666 : i32
          %get3A_668 = arith.constant 0 : i32
          %get3A_669 = arith.constant 0 : i32
          %get3A_670 = arith.constant 0 : i32
          %get3A_671 = tpu.memref_slice %run_scoped3A[%rem3A_199, %get3A_669, %get3A_670] : memref<2x8x2048xf32, #tpu.memory_space<vmem>> -> memref<1x8x2048xf32, #tpu.memory_space<vmem>>
          %get3A_672 = tpu.memref_squeeze %get3A_671 : memref<1x8x2048xf32, #tpu.memory_space<vmem>> -> memref<8x2048xf32, #tpu.memory_space<vmem>>
          %get3A_673 = arith.index_cast %get3A_668 : i32 to index
          %get3A_674 = arith.index_cast %mul3A_667 : i32 to index
          %get3A_675 = tpu.vector_load %get3A_672[%get3A_673, %get3A_674] {strides = array<i32>} : memref<8x2048xf32, #tpu.memory_space<vmem>>, vector<16xf32>,
          %sort3A_676 = arith.constant dense<true> : vector<16xi1>
          %sort3A_677, %sort3A_678, %sort3A_679 = tpu.sort %get3A_675, %get3A_675 masked %sort3A_676 : (vector<16xf32>, vector<16xf32>, vector<16xi1>) -> (vector<16xi1>, vector<16xf32>, vector<16xf32>)
          %rev3A_680 = arith.constant 15 : i32
          %rev3A_681 = vector.broadcast %rev3A_680 : i32 to vector<16xi32>
          %rev3A_682 = tpu.iota {dimensions = array<i32: 0>} : vector<16xi32>
          %rev3A_683 = arith.subi %rev3A_681, %rev3A_682 : vector<16xi32>
          %rev3A_684 = tpu.dynamic_gather %sort3A_678[%rev3A_683] in [0] : vector<16xf32>, vector<16xi32> -> vector<16xf32>
          %min3A_685 = arith.minimumf %scan3A_651, %rev3A_684 : vector<16xf32>
          %min3A_686 = arith.minimumf %scan3A_650, %min3A_685 : vector<16xf32>
          %max3A_687 = arith.maximumf %scan3A_650, %min3A_685 : vector<16xf32>
          %sort3A_688 = arith.constant dense<true> : vector<16xi1>
          %sort3A_689, %sort3A_690, %sort3A_691 = tpu.sort %min3A_686, %min3A_686 masked %sort3A_688 : (vector<16xf32>, vector<16xf32>, vector<16xi1>) -> (vector<16xi1>, vector<16xf32>, vector<16xf32>)
          %sort3A_692 = arith.constant dense<true> : vector<16xi1>
          %sort3A_693, %sort3A_694, %sort3A_695 = tpu.sort %max3A_687, %max3A_687 masked %sort3A_692 : (vector<16xf32>, vector<16xf32>, vector<16xi1>) -> (vector<16xi1>, vector<16xf32>, vector<16xf32>)
          %mul3A_696 = arith.constant 16 : i32
          %mul3A_697 = arith.muli %scan3A_649, %mul3A_696 : i32
          %get3A_698 = arith.constant 1 : i32
          %get3A_699 = arith.constant 0 : i32
          %get3A_700 = arith.constant 0 : i32
          %get3A_701 = tpu.memref_slice %run_scoped3A[%rem3A_199, %get3A_699, %get3A_700] : memref<2x8x2048xf32, #tpu.memory_space<vmem>> -> memref<1x8x2048xf32, #tpu.memory_space<vmem>>
          %get3A_702 = tpu.memref_squeeze %get3A_701 : memref<1x8x2048xf32, #tpu.memory_space<vmem>> -> memref<8x2048xf32, #tpu.memory_space<vmem>>
          %get3A_703 = arith.index_cast %get3A_698 : i32 to index
          %get3A_704 = arith.index_cast %mul3A_697 : i32 to index
          %get3A_705 = tpu.vector_load %get3A_702[%get3A_703, %get3A_704] {strides = array<i32>} : memref<8x2048xf32, #tpu.memory_space<vmem>>, vector<16xf32>,
          %sort3A_706 = arith.constant dense<true> : vector<16xi1>
          %sort3A_707, %sort3A_708, %sort3A_709 = tpu.sort %get3A_705, %get3A_705 masked %sort3A_706 : (vector<16xf32>, vector<16xf32>, vector<16xi1>) -> (vector<16xi1>, vector<16xf32>, vector<16xf32>)
          %rev3A_710 = arith.constant 15 : i32
          %rev3A_711 = vector.broadcast %rev3A_710 : i32 to vector<16xi32>
          %rev3A_712 = tpu.iota {dimensions = array<i32: 0>} : vector<16xi32>
          %rev3A_713 = arith.subi %rev3A_711, %rev3A_712 : vector<16xi32>
          %rev3A_714 = tpu.dynamic_gather %sort3A_708[%rev3A_713] in [0] : vector<16xf32>, vector<16xi32> -> vector<16xf32>
          %min3A_715 = arith.minimumf %scan3A_653, %rev3A_714 : vector<16xf32>
          %min3A_716 = arith.minimumf %scan3A_652, %min3A_715 : vector<16xf32>
          %max3A_717 = arith.maximumf %scan3A_652, %min3A_715 : vector<16xf32>
          %sort3A_718 = arith.constant dense<true> : vector<16xi1>
          %sort3A_719, %sort3A_720, %sort3A_721 = tpu.sort %min3A_716, %min3A_716 masked %sort3A_718 : (vector<16xf32>, vector<16xf32>, vector<16xi1>) -> (vector<16xi1>, vector<16xf32>, vector<16xf32>)
          %sort3A_722 = arith.constant dense<true> : vector<16xi1>
          %sort3A_723, %sort3A_724, %sort3A_725 = tpu.sort %max3A_717, %max3A_717 masked %sort3A_722 : (vector<16xf32>, vector<16xf32>, vector<16xi1>) -> (vector<16xi1>, vector<16xf32>, vector<16xf32>)
          %mul3A_726 = arith.constant 16 : i32
          %mul3A_727 = arith.muli %scan3A_649, %mul3A_726 : i32
          %get3A_728 = arith.constant 2 : i32
          %get3A_729 = arith.constant 0 : i32
          %get3A_730 = arith.constant 0 : i32
          %get3A_731 = tpu.memref_slice %run_scoped3A[%rem3A_199, %get3A_729, %get3A_730] : memref<2x8x2048xf32, #tpu.memory_space<vmem>> -> memref<1x8x2048xf32, #tpu.memory_space<vmem>>
          %get3A_732 = tpu.memref_squeeze %get3A_731 : memref<1x8x2048xf32, #tpu.memory_space<vmem>> -> memref<8x2048xf32, #tpu.memory_space<vmem>>
          %get3A_733 = arith.index_cast %get3A_728 : i32 to index
          %get3A_734 = arith.index_cast %mul3A_727 : i32 to index
          %get3A_735 = tpu.vector_load %get3A_732[%get3A_733, %get3A_734] {strides = array<i32>} : memref<8x2048xf32, #tpu.memory_space<vmem>>, vector<16xf32>,
          %sort3A_736 = arith.constant dense<true> : vector<16xi1>
          %sort3A_737, %sort3A_738, %sort3A_739 = tpu.sort %get3A_735, %get3A_735 masked %sort3A_736 : (vector<16xf32>, vector<16xf32>, vector<16xi1>) -> (vector<16xi1>, vector<16xf32>, vector<16xf32>)
          %rev3A_740 = arith.constant 15 : i32
          %rev3A_741 = vector.broadcast %rev3A_740 : i32 to vector<16xi32>
          %rev3A_742 = tpu.iota {dimensions = array<i32: 0>} : vector<16xi32>
          %rev3A_743 = arith.subi %rev3A_741, %rev3A_742 : vector<16xi32>
          %rev3A_744 = tpu.dynamic_gather %sort3A_738[%rev3A_743] in [0] : vector<16xf32>, vector<16xi32> -> vector<16xf32>
          %min3A_745 = arith.minimumf %scan3A_655, %rev3A_744 : vector<16xf32>
          %min3A_746 = arith.minimumf %scan3A_654, %min3A_745 : vector<16xf32>
          %max3A_747 = arith.maximumf %scan3A_654, %min3A_745 : vector<16xf32>
          %sort3A_748 = arith.constant dense<true> : vector<16xi1>
          %sort3A_749, %sort3A_750, %sort3A_751 = tpu.sort %min3A_746, %min3A_746 masked %sort3A_748 : (vector<16xf32>, vector<16xf32>, vector<16xi1>) -> (vector<16xi1>, vector<16xf32>, vector<16xf32>)
          %sort3A_752 = arith.constant dense<true> : vector<16xi1>
          %sort3A_753, %sort3A_754, %sort3A_755 = tpu.sort %max3A_747, %max3A_747 masked %sort3A_752 : (vector<16xf32>, vector<16xf32>, vector<16xi1>) -> (vector<16xi1>, vector<16xf32>, vector<16xf32>)
          %mul3A_756 = arith.constant 16 : i32
          %mul3A_757 = arith.muli %scan3A_649, %mul3A_756 : i32
          %get3A_758 = arith.constant 3 : i32
          %get3A_759 = arith.constant 0 : i32
          %get3A_760 = arith.constant 0 : i32
          %get3A_761 = tpu.memref_slice %run_scoped3A[%rem3A_199, %get3A_759, %get3A_760] : memref<2x8x2048xf32, #tpu.memory_space<vmem>> -> memref<1x8x2048xf32, #tpu.memory_space<vmem>>
          %get3A_762 = tpu.memref_squeeze %get3A_761 : memref<1x8x2048xf32, #tpu.memory_space<vmem>> -> memref<8x2048xf32, #tpu.memory_space<vmem>>
          %get3A_763 = arith.index_cast %get3A_758 : i32 to index
          %get3A_764 = arith.index_cast %mul3A_757 : i32 to index
          %get3A_765 = tpu.vector_load %get3A_762[%get3A_763, %get3A_764] {strides = array<i32>} : memref<8x2048xf32, #tpu.memory_space<vmem>>, vector<16xf32>,
          %sort3A_766 = arith.constant dense<true> : vector<16xi1>
          %sort3A_767, %sort3A_768, %sort3A_769 = tpu.sort %get3A_765, %get3A_765 masked %sort3A_766 : (vector<16xf32>, vector<16xf32>, vector<16xi1>) -> (vector<16xi1>, vector<16xf32>, vector<16xf32>)
          %rev3A_770 = arith.constant 15 : i32
          %rev3A_771 = vector.broadcast %rev3A_770 : i32 to vector<16xi32>
          %rev3A_772 = tpu.iota {dimensions = array<i32: 0>} : vector<16xi32>
          %rev3A_773 = arith.subi %rev3A_771, %rev3A_772 : vector<16xi32>
          %rev3A_774 = tpu.dynamic_gather %sort3A_768[%rev3A_773] in [0] : vector<16xf32>, vector<16xi32> -> vector<16xf32>
          %min3A_775 = arith.minimumf %scan3A_657, %rev3A_774 : vector<16xf32>
          %min3A_776 = arith.minimumf %scan3A_656, %min3A_775 : vector<16xf32>
          %max3A_777 = arith.maximumf %scan3A_656, %min3A_775 : vector<16xf32>
          %sort3A_778 = arith.constant dense<true> : vector<16xi1>
          %sort3A_779, %sort3A_780, %sort3A_781 = tpu.sort %min3A_776, %min3A_776 masked %sort3A_778 : (vector<16xf32>, vector<16xf32>, vector<16xi1>) -> (vector<16xi1>, vector<16xf32>, vector<16xf32>)
          %sort3A_782 = arith.constant dense<true> : vector<16xi1>
          %sort3A_783, %sort3A_784, %sort3A_785 = tpu.sort %max3A_777, %max3A_777 masked %sort3A_782 : (vector<16xf32>, vector<16xf32>, vector<16xi1>) -> (vector<16xi1>, vector<16xf32>, vector<16xf32>)
          %mul3A_786 = arith.constant 16 : i32
          %mul3A_787 = arith.muli %scan3A_649, %mul3A_786 : i32
          %get3A_788 = arith.constant 4 : i32
          %get3A_789 = arith.constant 0 : i32
          %get3A_790 = arith.constant 0 : i32
          %get3A_791 = tpu.memref_slice %run_scoped3A[%rem3A_199, %get3A_789, %get3A_790] : memref<2x8x2048xf32, #tpu.memory_space<vmem>> -> memref<1x8x2048xf32, #tpu.memory_space<vmem>>
          %get3A_792 = tpu.memref_squeeze %get3A_791 : memref<1x8x2048xf32, #tpu.memory_space<vmem>> -> memref<8x2048xf32, #tpu.memory_space<vmem>>
          %get3A_793 = arith.index_cast %get3A_788 : i32 to index
          %get3A_794 = arith.index_cast %mul3A_787 : i32 to index
          %get3A_795 = tpu.vector_load %get3A_792[%get3A_793, %get3A_794] {strides = array<i32>} : memref<8x2048xf32, #tpu.memory_space<vmem>>, vector<16xf32>,
          %sort3A_796 = arith.constant dense<true> : vector<16xi1>
          %sort3A_797, %sort3A_798, %sort3A_799 = tpu.sort %get3A_795, %get3A_795 masked %sort3A_796 : (vector<16xf32>, vector<16xf32>, vector<16xi1>) -> (vector<16xi1>, vector<16xf32>, vector<16xf32>)
          %rev3A_800 = arith.constant 15 : i32
          %rev3A_801 = vector.broadcast %rev3A_800 : i32 to vector<16xi32>
          %rev3A_802 = tpu.iota {dimensions = array<i32: 0>} : vector<16xi32>
          %rev3A_803 = arith.subi %rev3A_801, %rev3A_802 : vector<16xi32>
          %rev3A_804 = tpu.dynamic_gather %sort3A_798[%rev3A_803] in [0] : vector<16xf32>, vector<16xi32> -> vector<16xf32>
          %min3A_805 = arith.minimumf %scan3A_659, %rev3A_804 : vector<16xf32>
          %min3A_806 = arith.minimumf %scan3A_658, %min3A_805 : vector<16xf32>
          %max3A_807 = arith.maximumf %scan3A_658, %min3A_805 : vector<16xf32>
          %sort3A_808 = arith.constant dense<true> : vector<16xi1>
          %sort3A_809, %sort3A_810, %sort3A_811 = tpu.sort %min3A_806, %min3A_806 masked %sort3A_808 : (vector<16xf32>, vector<16xf32>, vector<16xi1>) -> (vector<16xi1>, vector<16xf32>, vector<16xf32>)
          %sort3A_812 = arith.constant dense<true> : vector<16xi1>
          %sort3A_813, %sort3A_814, %sort3A_815 = tpu.sort %max3A_807, %max3A_807 masked %sort3A_812 : (vector<16xf32>, vector<16xf32>, vector<16xi1>) -> (vector<16xi1>, vector<16xf32>, vector<16xf32>)
          %mul3A_816 = arith.constant 16 : i32
          %mul3A_817 = arith.muli %scan3A_649, %mul3A_816 : i32
          %get3A_818 = arith.constant 5 : i32
          %get3A_819 = arith.constant 0 : i32
          %get3A_820 = arith.constant 0 : i32
          %get3A_821 = tpu.memref_slice %run_scoped3A[%rem3A_199, %get3A_819, %get3A_820] : memref<2x8x2048xf32, #tpu.memory_space<vmem>> -> memref<1x8x2048xf32, #tpu.memory_space<vmem>>
          %get3A_822 = tpu.memref_squeeze %get3A_821 : memref<1x8x2048xf32, #tpu.memory_space<vmem>> -> memref<8x2048xf32, #tpu.memory_space<vmem>>
          %get3A_823 = arith.index_cast %get3A_818 : i32 to index
          %get3A_824 = arith.index_cast %mul3A_817 : i32 to index
          %get3A_825 = tpu.vector_load %get3A_822[%get3A_823, %get3A_824] {strides = array<i32>} : memref<8x2048xf32, #tpu.memory_space<vmem>>, vector<16xf32>,
          %sort3A_826 = arith.constant dense<true> : vector<16xi1>
          %sort3A_827, %sort3A_828, %sort3A_829 = tpu.sort %get3A_825, %get3A_825 masked %sort3A_826 : (vector<16xf32>, vector<16xf32>, vector<16xi1>) -> (vector<16xi1>, vector<16xf32>, vector<16xf32>)
          %rev3A_830 = arith.constant 15 : i32
          %rev3A_831 = vector.broadcast %rev3A_830 : i32 to vector<16xi32>
          %rev3A_832 = tpu.iota {dimensions = array<i32: 0>} : vector<16xi32>
          %rev3A_833 = arith.subi %rev3A_831, %rev3A_832 : vector<16xi32>
          %rev3A_834 = tpu.dynamic_gather %sort3A_828[%rev3A_833] in [0] : vector<16xf32>, vector<16xi32> -> vector<16xf32>
          %min3A_835 = arith.minimumf %scan3A_661, %rev3A_834 : vector<16xf32>
          %min3A_836 = arith.minimumf %scan3A_660, %min3A_835 : vector<16xf32>
          %max3A_837 = arith.maximumf %scan3A_660, %min3A_835 : vector<16xf32>
          %sort3A_838 = arith.constant dense<true> : vector<16xi1>
          %sort3A_839, %sort3A_840, %sort3A_841 = tpu.sort %min3A_836, %min3A_836 masked %sort3A_838 : (vector<16xf32>, vector<16xf32>, vector<16xi1>) -> (vector<16xi1>, vector<16xf32>, vector<16xf32>)
          %sort3A_842 = arith.constant dense<true> : vector<16xi1>
          %sort3A_843, %sort3A_844, %sort3A_845 = tpu.sort %max3A_837, %max3A_837 masked %sort3A_842 : (vector<16xf32>, vector<16xf32>, vector<16xi1>) -> (vector<16xi1>, vector<16xf32>, vector<16xf32>)
          %mul3A_846 = arith.constant 16 : i32
          %mul3A_847 = arith.muli %scan3A_649, %mul3A_846 : i32
          %get3A_848 = arith.constant 6 : i32
          %get3A_849 = arith.constant 0 : i32
          %get3A_850 = arith.constant 0 : i32
          %get3A_851 = tpu.memref_slice %run_scoped3A[%rem3A_199, %get3A_849, %get3A_850] : memref<2x8x2048xf32, #tpu.memory_space<vmem>> -> memref<1x8x2048xf32, #tpu.memory_space<vmem>>
          %get3A_852 = tpu.memref_squeeze %get3A_851 : memref<1x8x2048xf32, #tpu.memory_space<vmem>> -> memref<8x2048xf32, #tpu.memory_space<vmem>>
          %get3A_853 = arith.index_cast %get3A_848 : i32 to index
          %get3A_854 = arith.index_cast %mul3A_847 : i32 to index
          %get3A_855 = tpu.vector_load %get3A_852[%get3A_853, %get3A_854] {strides = array<i32>} : memref<8x2048xf32, #tpu.memory_space<vmem>>, vector<16xf32>,
          %sort3A_856 = arith.constant dense<true> : vector<16xi1>
          %sort3A_857, %sort3A_858, %sort3A_859 = tpu.sort %get3A_855, %get3A_855 masked %sort3A_856 : (vector<16xf32>, vector<16xf32>, vector<16xi1>) -> (vector<16xi1>, vector<16xf32>, vector<16xf32>)
          %rev3A_860 = arith.constant 15 : i32
          %rev3A_861 = vector.broadcast %rev3A_860 : i32 to vector<16xi32>
          %rev3A_862 = tpu.iota {dimensions = array<i32: 0>} : vector<16xi32>
          %rev3A_863 = arith.subi %rev3A_861, %rev3A_862 : vector<16xi32>
          %rev3A_864 = tpu.dynamic_gather %sort3A_858[%rev3A_863] in [0] : vector<16xf32>, vector<16xi32> -> vector<16xf32>
          %min3A_865 = arith.minimumf %scan3A_663, %rev3A_864 : vector<16xf32>
          %min3A_866 = arith.minimumf %scan3A_662, %min3A_865 : vector<16xf32>
          %max3A_867 = arith.maximumf %scan3A_662, %min3A_865 : vector<16xf32>
          %sort3A_868 = arith.constant dense<true> : vector<16xi1>
          %sort3A_869, %sort3A_870, %sort3A_871 = tpu.sort %min3A_866, %min3A_866 masked %sort3A_868 : (vector<16xf32>, vector<16xf32>, vector<16xi1>) -> (vector<16xi1>, vector<16xf32>, vector<16xf32>)
          %sort3A_872 = arith.constant dense<true> : vector<16xi1>
          %sort3A_873, %sort3A_874, %sort3A_875 = tpu.sort %max3A_867, %max3A_867 masked %sort3A_872 : (vector<16xf32>, vector<16xf32>, vector<16xi1>) -> (vector<16xi1>, vector<16xf32>, vector<16xf32>)
          %mul3A_876 = arith.constant 16 : i32
          %mul3A_877 = arith.muli %scan3A_649, %mul3A_876 : i32
          %get3A_878 = arith.constant 7 : i32
          %get3A_879 = arith.constant 0 : i32
          %get3A_880 = arith.constant 0 : i32
          %get3A_881 = tpu.memref_slice %run_scoped3A[%rem3A_199, %get3A_879, %get3A_880] : memref<2x8x2048xf32, #tpu.memory_space<vmem>> -> memref<1x8x2048xf32, #tpu.memory_space<vmem>>
          %get3A_882 = tpu.memref_squeeze %get3A_881 : memref<1x8x2048xf32, #tpu.memory_space<vmem>> -> memref<8x2048xf32, #tpu.memory_space<vmem>>
          %get3A_883 = arith.index_cast %get3A_878 : i32 to index
          %get3A_884 = arith.index_cast %mul3A_877 : i32 to index
          %get3A_885 = tpu.vector_load %get3A_882[%get3A_883, %get3A_884] {strides = array<i32>} : memref<8x2048xf32, #tpu.memory_space<vmem>>, vector<16xf32>,
          %sort3A_886 = arith.constant dense<true> : vector<16xi1>
          %sort3A_887, %sort3A_888, %sort3A_889 = tpu.sort %get3A_885, %get3A_885 masked %sort3A_886 : (vector<16xf32>, vector<16xf32>, vector<16xi1>) -> (vector<16xi1>, vector<16xf32>, vector<16xf32>)
          %rev3A_890 = arith.constant 15 : i32
          %rev3A_891 = vector.broadcast %rev3A_890 : i32 to vector<16xi32>
          %rev3A_892 = tpu.iota {dimensions = array<i32: 0>} : vector<16xi32>
          %rev3A_893 = arith.subi %rev3A_891, %rev3A_892 : vector<16xi32>
          %rev3A_894 = tpu.dynamic_gather %sort3A_888[%rev3A_893] in [0] : vector<16xf32>, vector<16xi32> -> vector<16xf32>
          %min3A_895 = arith.minimumf %scan3A_665, %rev3A_894 : vector<16xf32>
          %min3A_896 = arith.minimumf %scan3A_664, %min3A_895 : vector<16xf32>
          %max3A_897 = arith.maximumf %scan3A_664, %min3A_895 : vector<16xf32>
          %sort3A_898 = arith.constant dense<true> : vector<16xi1>
          %sort3A_899, %sort3A_900, %sort3A_901 = tpu.sort %min3A_896, %min3A_896 masked %sort3A_898 : (vector<16xf32>, vector<16xf32>, vector<16xi1>) -> (vector<16xi1>, vector<16xf32>, vector<16xf32>)
          %sort3A_902 = arith.constant dense<true> : vector<16xi1>
          %sort3A_903, %sort3A_904, %sort3A_905 = tpu.sort %max3A_897, %max3A_897 masked %sort3A_902 : (vector<16xf32>, vector<16xf32>, vector<16xi1>) -> (vector<16xi1>, vector<16xf32>, vector<16xf32>)
          scf.yield %sort3A_690, %sort3A_694, %sort3A_720, %sort3A_724, %sort3A_750, %sort3A_754, %sort3A_780, %sort3A_784, %sort3A_810, %sort3A_814, %sort3A_840, %sort3A_844, %sort3A_870, %sort3A_874, %sort3A_900, %sort3A_904 : vector<16xf32>, vector<16xf32>, vector<16xf32>, vector<16xf32>, vector<16xf32>, vector<16xf32>, vector<16xf32>, vector<16xf32>, vector<16xf32>, vector<16xf32>, vector<16xf32>, vector<16xf32>, vector<16xf32>, vector<16xf32>, vector<16xf32>, vector<16xf32>
        }
        %scan3A_514 = arith.constant 126 : i32
        %swap3A = arith.constant 0 : i32
        %swap3A_515 = arith.constant 0 : i32
        %swap3A_516 = arith.constant 0 : i32
        %swap3A_517 = tpu.memref_slice %run_scoped3A_8[%rem3A_201, %swap3A_515, %swap3A_516] : memref<2x8x16xf32, #tpu.memory_space<vmem>> -> memref<1x8x16xf32, #tpu.memory_space<vmem>>
        %swap3A_518 = tpu.memref_squeeze %swap3A_517 : memref<1x8x16xf32, #tpu.memory_space<vmem>> -> memref<8x16xf32, #tpu.memory_space<vmem>>
        %swap3A_519 = arith.index_cast %swap3A : i32 to index
        %swap3A_520 = arith.constant 0 : index
        %swap3A_521 = tpu.vector_load %swap3A_518[%swap3A_519, %swap3A_520] {strides = array<i32>} : memref<8x16xf32, #tpu.memory_space<vmem>>, vector<16xf32>,
        tpu.vector_store %swap3A_518[%swap3A_519, %swap3A_520], %scan3A_513#1 {strides = array<i32>} : memref<8x16xf32, #tpu.memory_space<vmem>>, vector<16xf32>,
        %swap3A_522 = arith.constant 1 : i32
        %swap3A_523 = arith.constant 0 : i32
        %swap3A_524 = arith.constant 0 : i32
        %swap3A_525 = tpu.memref_slice %run_scoped3A_8[%rem3A_201, %swap3A_523, %swap3A_524] : memref<2x8x16xf32, #tpu.memory_space<vmem>> -> memref<1x8x16xf32, #tpu.memory_space<vmem>>
        %swap3A_526 = tpu.memref_squeeze %swap3A_525 : memref<1x8x16xf32, #tpu.memory_space<vmem>> -> memref<8x16xf32, #tpu.memory_space<vmem>>
        %swap3A_527 = arith.index_cast %swap3A_522 : i32 to index
        %swap3A_528 = arith.constant 0 : index
        %swap3A_529 = tpu.vector_load %swap3A_526[%swap3A_527, %swap3A_528] {strides = array<i32>} : memref<8x16xf32, #tpu.memory_space<vmem>>, vector<16xf32>,
        tpu.vector_store %swap3A_526[%swap3A_527, %swap3A_528], %scan3A_513#3 {strides = array<i32>} : memref<8x16xf32, #tpu.memory_space<vmem>>, vector<16xf32>,
        %swap3A_530 = arith.constant 2 : i32
        %swap3A_531 = arith.constant 0 : i32
        %swap3A_532 = arith.constant 0 : i32
        %swap3A_533 = tpu.memref_slice %run_scoped3A_8[%rem3A_201, %swap3A_531, %swap3A_532] : memref<2x8x16xf32, #tpu.memory_space<vmem>> -> memref<1x8x16xf32, #tpu.memory_space<vmem>>
        %swap3A_534 = tpu.memref_squeeze %swap3A_533 : memref<1x8x16xf32, #tpu.memory_space<vmem>> -> memref<8x16xf32, #tpu.memory_space<vmem>>
        %swap3A_535 = arith.index_cast %swap3A_530 : i32 to index
        %swap3A_536 = arith.constant 0 : index
        %swap3A_537 = tpu.vector_load %swap3A_534[%swap3A_535, %swap3A_536] {strides = array<i32>} : memref<8x16xf32, #tpu.memory_space<vmem>>, vector<16xf32>,
        tpu.vector_store %swap3A_534[%swap3A_535, %swap3A_536], %scan3A_513#5 {strides = array<i32>} : memref<8x16xf32, #tpu.memory_space<vmem>>, vector<16xf32>,
        %swap3A_538 = arith.constant 3 : i32
        %swap3A_539 = arith.constant 0 : i32
        %swap3A_540 = arith.constant 0 : i32
        %swap3A_541 = tpu.memref_slice %run_scoped3A_8[%rem3A_201, %swap3A_539, %swap3A_540] : memref<2x8x16xf32, #tpu.memory_space<vmem>> -> memref<1x8x16xf32, #tpu.memory_space<vmem>>
        %swap3A_542 = tpu.memref_squeeze %swap3A_541 : memref<1x8x16xf32, #tpu.memory_space<vmem>> -> memref<8x16xf32, #tpu.memory_space<vmem>>
        %swap3A_543 = arith.index_cast %swap3A_538 : i32 to index
        %swap3A_544 = arith.constant 0 : index
        %swap3A_545 = tpu.vector_load %swap3A_542[%swap3A_543, %swap3A_544] {strides = array<i32>} : memref<8x16xf32, #tpu.memory_space<vmem>>, vector<16xf32>,
        tpu.vector_store %swap3A_542[%swap3A_543, %swap3A_544], %scan3A_513#7 {strides = array<i32>} : memref<8x16xf32, #tpu.memory_space<vmem>>, vector<16xf32>,
        %swap3A_546 = arith.constant 4 : i32
        %swap3A_547 = arith.constant 0 : i32
        %swap3A_548 = arith.constant 0 : i32
        %swap3A_549 = tpu.memref_slice %run_scoped3A_8[%rem3A_201, %swap3A_547, %swap3A_548] : memref<2x8x16xf32, #tpu.memory_space<vmem>> -> memref<1x8x16xf32, #tpu.memory_space<vmem>>
        %swap3A_550 = tpu.memref_squeeze %swap3A_549 : memref<1x8x16xf32, #tpu.memory_space<vmem>> -> memref<8x16xf32, #tpu.memory_space<vmem>>
        %swap3A_551 = arith.index_cast %swap3A_546 : i32 to index
        %swap3A_552 = arith.constant 0 : index
        %swap3A_553 = tpu.vector_load %swap3A_550[%swap3A_551, %swap3A_552] {strides = array<i32>} : memref<8x16xf32, #tpu.memory_space<vmem>>, vector<16xf32>,
        tpu.vector_store %swap3A_550[%swap3A_551, %swap3A_552], %scan3A_513#9 {strides = array<i32>} : memref<8x16xf32, #tpu.memory_space<vmem>>, vector<16xf32>,
        %swap3A_554 = arith.constant 5 : i32
        %swap3A_555 = arith.constant 0 : i32
        %swap3A_556 = arith.constant 0 : i32
        %swap3A_557 = tpu.memref_slice %run_scoped3A_8[%rem3A_201, %swap3A_555, %swap3A_556] : memref<2x8x16xf32, #tpu.memory_space<vmem>> -> memref<1x8x16xf32, #tpu.memory_space<vmem>>
        %swap3A_558 = tpu.memref_squeeze %swap3A_557 : memref<1x8x16xf32, #tpu.memory_space<vmem>> -> memref<8x16xf32, #tpu.memory_space<vmem>>
        %swap3A_559 = arith.index_cast %swap3A_554 : i32 to index
        %swap3A_560 = arith.constant 0 : index
        %swap3A_561 = tpu.vector_load %swap3A_558[%swap3A_559, %swap3A_560] {strides = array<i32>} : memref<8x16xf32, #tpu.memory_space<vmem>>, vector<16xf32>,
        tpu.vector_store %swap3A_558[%swap3A_559, %swap3A_560], %scan3A_513#11 {strides = array<i32>} : memref<8x16xf32, #tpu.memory_space<vmem>>, vector<16xf32>,
        %swap3A_562 = arith.constant 6 : i32
        %swap3A_563 = arith.constant 0 : i32
        %swap3A_564 = arith.constant 0 : i32
        %swap3A_565 = tpu.memref_slice %run_scoped3A_8[%rem3A_201, %swap3A_563, %swap3A_564] : memref<2x8x16xf32, #tpu.memory_space<vmem>> -> memref<1x8x16xf32, #tpu.memory_space<vmem>>
        %swap3A_566 = tpu.memref_squeeze %swap3A_565 : memref<1x8x16xf32, #tpu.memory_space<vmem>> -> memref<8x16xf32, #tpu.memory_space<vmem>>
        %swap3A_567 = arith.index_cast %swap3A_562 : i32 to index
        %swap3A_568 = arith.constant 0 : index
        %swap3A_569 = tpu.vector_load %swap3A_566[%swap3A_567, %swap3A_568] {strides = array<i32>} : memref<8x16xf32, #tpu.memory_space<vmem>>, vector<16xf32>,
        tpu.vector_store %swap3A_566[%swap3A_567, %swap3A_568], %scan3A_513#13 {strides = array<i32>} : memref<8x16xf32, #tpu.memory_space<vmem>>, vector<16xf32>,
        %swap3A_570 = arith.constant 7 : i32
        %swap3A_571 = arith.constant 0 : i32
        %swap3A_572 = arith.constant 0 : i32
        %swap3A_573 = tpu.memref_slice %run_scoped3A_8[%rem3A_201, %swap3A_571, %swap3A_572] : memref<2x8x16xf32, #tpu.memory_space<vmem>> -> memref<1x8x16xf32, #tpu.memory_space<vmem>>
        %swap3A_574 = tpu.memref_squeeze %swap3A_573 : memref<1x8x16xf32, #tpu.memory_space<vmem>> -> memref<8x16xf32, #tpu.memory_space<vmem>>
        %swap3A_575 = arith.index_cast %swap3A_570 : i32 to index
        %swap3A_576 = arith.constant 0 : index
        %swap3A_577 = tpu.vector_load %swap3A_574[%swap3A_575, %swap3A_576] {strides = array<i32>} : memref<8x16xf32, #tpu.memory_space<vmem>>, vector<16xf32>,
        tpu.vector_store %swap3A_574[%swap3A_575, %swap3A_576], %scan3A_513#15 {strides = array<i32>} : memref<8x16xf32, #tpu.memory_space<vmem>>, vector<16xf32>,
        "tpu.trace_stop"() : () -> ()
        %ne3A_578 = arith.cmpi ne, %add3A_131, %add3A_149 : i32
        %or3A_579 = arith.constant false
        %or3A_580 = arith.ori %or3A_579, %ne3A_578 : i1
        %or3A_581 = arith.constant false
        %or3A_582 = arith.ori %or3A_580, %or3A_581 : i1
        %or3A_583 = arith.ori %or3A_582, %eq3A_130 : i1
        %convert_element_type3A_584 = arith.extui %or3A_583 : i1 to i32
        %cond3A_585 = arith.constant 0 : i32
        %cond3A_586 = arith.cmpi ne, %convert_element_type3A_584, %cond3A_585 : i32
        scf.if %cond3A_586 {
        } else {
        }
        %and3A_587 = arith.constant false
        %and3A_588 = arith.andi %or3A_583, %and3A_587 : i1
        %ne3A_589 = arith.cmpi ne, %add3A_131, %add3A_149 : i32
        %or3A_590 = arith.constant false
        %or3A_591 = arith.ori %or3A_590, %ne3A_589 : i1
        %or3A_592 = arith.constant false
        %or3A_593 = arith.ori %or3A_591, %or3A_592 : i1
        %or3A_594 = arith.ori %or3A_593, %eq3A_130 : i1
        %convert_element_type3A_595 = arith.extui %or3A_594 : i1 to i32
        %cond3A_596 = arith.constant 0 : i32
        %cond3A_597 = arith.cmpi ne, %convert_element_type3A_595, %cond3A_596 : i32
        scf.if %cond3A_597 {
          "tpu.trace_start"() <{level = 10 : i32, message = "ep_copy_out"}> : () -> ()
          %rem3A_649 = arith.constant 2 : i32
          %rem3A_650 = arith.remui %scan3A_124, %rem3A_649 : i32
          %mul3A_651 = arith.constant 8 : i32
          %mul3A_652 = arith.muli %mul3A_651, %add3A_131 : i32
          %dma_start3A_653 = arith.constant 0 : i32
          %dma_start3A_654 = arith.constant 0 : i32
          %dma_start3A_655 = tpu.memref_slice %run_scoped3A_8[%rem3A_650, %dma_start3A_653, %dma_start3A_654] : memref<2x8x16xf32, #tpu.memory_space<vmem>> -> memref<1x8x16xf32, #tpu.memory_space<vmem>>
          %dma_start3A_656 = tpu.memref_squeeze %dma_start3A_655 : memref<1x8x16xf32, #tpu.memory_space<vmem>> -> memref<8x16xf32, #tpu.memory_space<vmem>>
          %dma_start3A_657 = arith.constant 0 : i32
          %dma_start3A_658 = tpu.memref_slice %arg3[%mul3A_652, %dma_start3A_657] : memref<2048x16xf32, #tpu.memory_space<hbm>> -> memref<8x16xf32, #tpu.memory_space<hbm>>
          %dma_start3A_659 = tpu.memref_slice %run_scoped3A_9[%rem3A_650] : memref<2x!tpu.dma_semaphore, #tpu.memory_space<semaphore_mem>> -> memref<1x!tpu.dma_semaphore, #tpu.memory_space<semaphore_mem>>
          %dma_start3A_660 = tpu.memref_squeeze %dma_start3A_659 : memref<1x!tpu.dma_semaphore, #tpu.memory_space<semaphore_mem>> -> memref<!tpu.dma_semaphore, #tpu.memory_space<semaphore_mem>>
          %dma_start3A_661 = arith.constant 0 : i32
          %dma_start3A_662 = tpu.memref_slice %arg3[%mul3A_652, %dma_start3A_661] : memref<2048x16xf32, #tpu.memory_space<hbm>> -> memref<8x16xf32, #tpu.memory_space<hbm>>
          %dma_start3A_663 = arith.constant 0 : i32
          %dma_start3A_664 = arith.constant 0 : i32
          %dma_start3A_665 = tpu.memref_slice %run_scoped3A_8[%rem3A_650, %dma_start3A_663, %dma_start3A_664] : memref<2x8x16xf32, #tpu.memory_space<vmem>> -> memref<1x8x16xf32, #tpu.memory_space<vmem>>
          %dma_start3A_666 = tpu.memref_squeeze %dma_start3A_665 : memref<1x8x16xf32, #tpu.memory_space<vmem>> -> memref<8x16xf32, #tpu.memory_space<vmem>>
          tpu.enqueue_dma source(%dma_start3A_666 : memref<8x16xf32, #tpu.memory_space<vmem>>) target(%dma_start3A_662 : memref<8x16xf32, #tpu.memory_space<hbm>>) target_semaphore(%dma_start3A_660 : memref<!tpu.dma_semaphore, #tpu.memory_space<semaphore_mem>>)
          "tpu.trace_stop"() : () -> ()
        } else {
        }
        %and3A_598 = arith.constant true
        %and3A_599 = arith.andi %or3A_594, %and3A_598 : i1
        %add3A_600 = arith.constant 1 : i32
        %add3A_601 = arith.addi %scan3A_124, %add3A_600 : i32
        %select_n3A_602 = arith.select %and3A_599, %add3A_601, %scan3A_124 : i32
        %ne3A_603 = arith.cmpi ne, %add3A_131, %add3A_140 : i32
        %or3A_604 = arith.constant false
        %or3A_605 = arith.ori %or3A_604, %ne3A_603 : i1
        %or3A_606 = arith.constant false
        %or3A_607 = arith.ori %or3A_605, %or3A_606 : i1
        %not3A_608 = arith.constant true
        %not3A_609 = arith.xori %eq3A_128, %not3A_608 : i1
        %and3A_610 = arith.andi %or3A_607, %not3A_609 : i1
        %convert_element_type3A_611 = arith.extui %and3A_610 : i1 to i32
        %cond3A_612 = arith.constant 0 : i32
        %cond3A_613 = arith.cmpi ne, %convert_element_type3A_611, %cond3A_612 : i32
        scf.if %cond3A_613 {
        } else {
        }
        %and3A_614 = arith.constant false
        %and3A_615 = arith.andi %and3A_610, %and3A_614 : i1
        %ne3A_616 = arith.cmpi ne, %add3A_131, %add3A_140 : i32
        %or3A_617 = arith.constant false
        %or3A_618 = arith.ori %or3A_617, %ne3A_616 : i1
        %or3A_619 = arith.constant false
        %or3A_620 = arith.ori %or3A_618, %or3A_619 : i1
        %not3A_621 = arith.constant true
        %not3A_622 = arith.xori %eq3A_128, %not3A_621 : i1
        %and3A_623 = arith.andi %or3A_620, %not3A_622 : i1
        %convert_element_type3A_624 = arith.extui %and3A_623 : i1 to i32
        %cond3A_625 = arith.constant 0 : i32
        %cond3A_626 = arith.cmpi ne, %convert_element_type3A_624, %cond3A_625 : i32
        scf.if %cond3A_626 {
          "tpu.trace_start"() <{level = 10 : i32, message = "ep_wait_out"}> : () -> ()
          %rem3A_649 = arith.constant 2 : i32
          %rem3A_650 = arith.remui %scan3A_125, %rem3A_649 : i32
          %mul3A_651 = arith.constant 8 : i32
          %mul3A_652 = arith.muli %mul3A_651, %add3A_140 : i32
          %dma_wait3A_653 = arith.constant 0 : i32
          %dma_wait3A_654 = arith.constant 0 : i32
          %dma_wait3A_655 = tpu.memref_slice %run_scoped3A_8[%rem3A_650, %dma_wait3A_653, %dma_wait3A_654] : memref<2x8x16xf32, #tpu.memory_space<vmem>> -> memref<1x8x16xf32, #tpu.memory_space<vmem>>
          %dma_wait3A_656 = tpu.memref_squeeze %dma_wait3A_655 : memref<1x8x16xf32, #tpu.memory_space<vmem>> -> memref<8x16xf32, #tpu.memory_space<vmem>>
          %dma_wait3A_657 = arith.constant 0 : i32
          %dma_wait3A_658 = tpu.memref_slice %arg3[%mul3A_652, %dma_wait3A_657] : memref<2048x16xf32, #tpu.memory_space<hbm>> -> memref<8x16xf32, #tpu.memory_space<hbm>>
          %dma_wait3A_659 = tpu.memref_slice %run_scoped3A_9[%rem3A_650] : memref<2x!tpu.dma_semaphore, #tpu.memory_space<semaphore_mem>> -> memref<1x!tpu.dma_semaphore, #tpu.memory_space<semaphore_mem>>
          %dma_wait3A_660 = tpu.memref_squeeze %dma_wait3A_659 : memref<1x!tpu.dma_semaphore, #tpu.memory_space<semaphore_mem>> -> memref<!tpu.dma_semaphore, #tpu.memory_space<semaphore_mem>>
          %dma_wait3A_661 = arith.constant 0 : i32
          %dma_wait3A_662 = tpu.memref_slice %arg3[%mul3A_652, %dma_wait3A_661] : memref<2048x16xf32, #tpu.memory_space<hbm>> -> memref<8x16xf32, #tpu.memory_space<hbm>>
          %dma_wait3A_663 = arith.constant 0 : i32
          %dma_wait3A_664 = arith.constant 0 : i32
          %dma_wait3A_665 = tpu.memref_slice %run_scoped3A_8[%rem3A_650, %dma_wait3A_663, %dma_wait3A_664] : memref<2x8x16xf32, #tpu.memory_space<vmem>> -> memref<1x8x16xf32, #tpu.memory_space<vmem>>
          %dma_wait3A_666 = tpu.memref_squeeze %dma_wait3A_665 : memref<1x8x16xf32, #tpu.memory_space<vmem>> -> memref<8x16xf32, #tpu.memory_space<vmem>>
          tpu.wait_dma2 semaphore(%dma_wait3A_660 : memref<!tpu.dma_semaphore, #tpu.memory_space<semaphore_mem>>) src(%dma_wait3A_666 : memref<8x16xf32, #tpu.memory_space<vmem>>) dst(%dma_wait3A_662 : memref<8x16xf32, #tpu.memory_space<hbm>>)
          "tpu.trace_stop"() : () -> ()
        } else {
        }
        %and3A_627 = arith.constant true
        %and3A_628 = arith.andi %and3A_623, %and3A_627 : i1
        %add3A_629 = arith.constant 1 : i32
        %add3A_630 = arith.addi %scan3A_125, %add3A_629 : i32
        %select_n3A_631 = arith.select %and3A_628, %add3A_630, %scan3A_125 : i32
        %ne3A_632 = arith.cmpi ne, %add3A_131, %add3A_149 : i32
        %or3A_633 = arith.constant false
        %or3A_634 = arith.ori %or3A_633, %ne3A_632 : i1
        %or3A_635 = arith.constant false
        %or3A_636 = arith.ori %or3A_634, %or3A_635 : i1
        %or3A_637 = arith.ori %or3A_636, %eq3A_130 : i1
        %add3A_638 = arith.constant 1 : i32
        %add3A_639 = arith.addi %scan3A_123, %add3A_638 : i32
        %select_n3A_640 = arith.select %or3A_637, %add3A_639, %scan3A_123 : i32
        %add3A_641 = arith.constant 1 : i32
        %add3A_642 = arith.addi %scan3A_126, %add3A_641 : i32
        %select_n3A_643 = arith.constant true
        %select_n3A_644 = arith.select %select_n3A_643, %add3A_642, %scan3A_126 : i32
        %eq3A_645 = arith.constant 8 : i32
        %eq3A_646 = arith.cmpi eq, %select_n3A_644, %eq3A_645 : i32
        %select_n3A_647 = arith.constant 0 : i32
        %select_n3A_648 = arith.select %eq3A_646, %select_n3A_647, %select_n3A_644 : i32
        scf.yield %select_n3A_169, %select_n3A_640, %select_n3A_602, %select_n3A_631, %select_n3A_648 : i32, i32, i32, i32, i32
      }
      %scan3A_68 = arith.constant 8 : i32
      %sub3A = arith.constant 1 : i32
      %sub3A_69 = arith.subi %scan3A_67#4, %sub3A : i32
      %select_n3A_70 = arith.constant true
      %select_n3A_71 = arith.select %select_n3A_70, %sub3A_69, %scan3A_67#4 : i32
      %eq3A_72 = arith.constant -1 : i32
      %eq3A_73 = arith.cmpi eq, %select_n3A_71, %eq3A_72 : i32
      %select_n3A_74 = arith.constant 7 : i32
      %select_n3A_75 = arith.select %eq3A_73, %select_n3A_74, %select_n3A_71 : i32
      %add3A_76 = arith.addi %select_n3A_75, %mul3A_6 : i32
      %sub3A_77 = arith.constant 1 : i32
      %sub3A_78 = arith.subi %select_n3A_75, %sub3A_77 : i32
      %select_n3A_79 = arith.constant true
      %select_n3A_80 = arith.select %select_n3A_79, %sub3A_78, %select_n3A_75 : i32
      %eq3A_81 = arith.constant -1 : i32
      %eq3A_82 = arith.cmpi eq, %select_n3A_80, %eq3A_81 : i32
      %select_n3A_83 = arith.constant 7 : i32
      %select_n3A_84 = arith.select %eq3A_82, %select_n3A_83, %select_n3A_80 : i32
      %add3A_85 = arith.addi %select_n3A_84, %mul3A_6 : i32
      %add3A_86 = arith.constant 1 : i32
      %add3A_87 = arith.addi %select_n3A_75, %add3A_86 : i32
      %select_n3A_88 = arith.constant true
      %select_n3A_89 = arith.select %select_n3A_88, %add3A_87, %select_n3A_75 : i32
      %eq3A_90 = arith.constant 8 : i32
      %eq3A_91 = arith.cmpi eq, %select_n3A_89, %eq3A_90 : i32
      %select_n3A_92 = arith.constant 0 : i32
      %select_n3A_93 = arith.select %eq3A_91, %select_n3A_92, %select_n3A_89 : i32
      %add3A_94 = arith.addi %select_n3A_93, %mul3A_6 : i32
      %add3A_95 = arith.constant 1 : i32
      %add3A_96 = arith.addi %select_n3A_93, %add3A_95 : i32
      %select_n3A_97 = arith.constant true
      %select_n3A_98 = arith.select %select_n3A_97, %add3A_96, %select_n3A_93 : i32
      %eq3A_99 = arith.constant 8 : i32
      %eq3A_100 = arith.cmpi eq, %select_n3A_98, %eq3A_99 : i32
      %select_n3A_101 = arith.constant 0 : i32
      %select_n3A_102 = arith.select %eq3A_100, %select_n3A_101, %select_n3A_98 : i32
      %add3A_103 = arith.addi %select_n3A_102, %mul3A_6 : i32
      "tpu.trace_start"() <{level = 10 : i32, message = "ep_finalize"}> : () -> ()
      %rem3A_104 = arith.constant 2 : i32
      %rem3A_105 = arith.remui %scan3A_67#3, %rem3A_104 : i32
      %mul3A_106 = arith.constant 8 : i32
      %mul3A_107 = arith.muli %mul3A_106, %add3A_76 : i32
      %dma_wait3A = arith.constant 0 : i32
      %dma_wait3A_108 = arith.constant 0 : i32
      %dma_wait3A_109 = tpu.memref_slice %run_scoped3A_8[%rem3A_105, %dma_wait3A, %dma_wait3A_108] : memref<2x8x16xf32, #tpu.memory_space<vmem>> -> memref<1x8x16xf32, #tpu.memory_space<vmem>>
      %dma_wait3A_110 = tpu.memref_squeeze %dma_wait3A_109 : memref<1x8x16xf32, #tpu.memory_space<vmem>> -> memref<8x16xf32, #tpu.memory_space<vmem>>
      %dma_wait3A_111 = arith.constant 0 : i32
      %dma_wait3A_112 = tpu.memref_slice %arg3[%mul3A_107, %dma_wait3A_111] : memref<2048x16xf32, #tpu.memory_space<hbm>> -> memref<8x16xf32, #tpu.memory_space<hbm>>
      %dma_wait3A_113 = tpu.memref_slice %run_scoped3A_9[%rem3A_105] : memref<2x!tpu.dma_semaphore, #tpu.memory_space<semaphore_mem>> -> memref<1x!tpu.dma_semaphore, #tpu.memory_space<semaphore_mem>>
      %dma_wait3A_114 = tpu.memref_squeeze %dma_wait3A_113 : memref<1x!tpu.dma_semaphore, #tpu.memory_space<semaphore_mem>> -> memref<!tpu.dma_semaphore, #tpu.memory_space<semaphore_mem>>
      %dma_wait3A_115 = arith.constant 0 : i32
      %dma_wait3A_116 = tpu.memref_slice %arg3[%mul3A_107, %dma_wait3A_115] : memref<2048x16xf32, #tpu.memory_space<hbm>> -> memref<8x16xf32, #tpu.memory_space<hbm>>
      %dma_wait3A_117 = arith.constant 0 : i32
      %dma_wait3A_118 = arith.constant 0 : i32
      %dma_wait3A_119 = tpu.memref_slice %run_scoped3A_8[%rem3A_105, %dma_wait3A_117, %dma_wait3A_118] : memref<2x8x16xf32, #tpu.memory_space<vmem>> -> memref<1x8x16xf32, #tpu.memory_space<vmem>>
      %dma_wait3A_120 = tpu.memref_squeeze %dma_wait3A_119 : memref<1x8x16xf32, #tpu.memory_space<vmem>> -> memref<8x16xf32, #tpu.memory_space<vmem>>
      tpu.wait_dma2 semaphore(%dma_wait3A_114 : memref<!tpu.dma_semaphore, #tpu.memory_space<semaphore_mem>>) src(%dma_wait3A_120 : memref<8x16xf32, #tpu.memory_space<vmem>>) dst(%dma_wait3A_116 : memref<8x16xf32, #tpu.memory_space<hbm>>)
      "tpu.trace_stop"() : () -> ()
      tpu.yield
    }) : () -> ()
    return
  }
}

module attributes {stable_mosaic.version = 14 : i64} {
  func.func @_dist_kernel(%arg0: i32, %arg1: memref<512x3xf32, #tpu.memory_space<vmem>>, %arg2: memref<3x2048xf32, #tpu.memory_space<vmem>>, %arg3: memref<1x2xf32, #tpu.memory_space<vmem>>, %arg4: memref<512x2048xf32, #tpu.memory_space<vmem>>) attributes {dimension_semantics = [#tpu.dimension_semantics<parallel>], iteration_bounds = array<i64: 4>, scalar_prefetch = 0 : i64, scratch_operands = 0 : i64, tpu.core_type = #tpu.core_type<tc>, window_params = [{transform_indices = @transform_0, window_bounds = array<i64: 512, 3>}, {pipeline_mode = #tpu.pipeline_mode<synchronous>, transform_indices = @transform_1, window_bounds = array<i64: 3, 2048>}, {pipeline_mode = #tpu.pipeline_mode<synchronous>, transform_indices = @transform_2, window_bounds = array<i64: 1, 2>}, {transform_indices = @transform_3, window_bounds = array<i64: 512, 2048>}]} {
    %get3A = arith.constant 0 : index
    %get3A_0 = arith.constant 0 : index
    %get3A_1 = vector.load %arg3[%get3A, %get3A_0] : memref<1x2xf32, #tpu.memory_space<vmem>>, vector<1x1xf32>
    %get3A_2 = vector.extract %get3A_1[0, 0] : f32 from vector<1x1xf32>
    %get3A_3 = arith.constant 0 : index
    %get3A_4 = arith.constant 1 : index
    %get3A_5 = vector.load %arg3[%get3A_3, %get3A_4] : memref<1x2xf32, #tpu.memory_space<vmem>>, vector<1x1xf32>
    %get3A_6 = vector.extract %get3A_5[0, 0] : f32 from vector<1x1xf32>
    %get3A_7 = arith.constant 0 : index
    %get3A_8 = arith.constant 0 : index
    %get3A_9 = vector.load %arg1[%get3A_7, %get3A_8] : memref<512x3xf32, #tpu.memory_space<vmem>>, vector<512x1xf32>
    %get3A_10 = arith.constant 0 : index
    %get3A_11 = arith.constant 1 : index
    %get3A_12 = vector.load %arg1[%get3A_10, %get3A_11] : memref<512x3xf32, #tpu.memory_space<vmem>>, vector<512x1xf32>
    %get3A_13 = arith.constant 0 : index
    %get3A_14 = arith.constant 2 : index
    %get3A_15 = vector.load %arg1[%get3A_13, %get3A_14] : memref<512x3xf32, #tpu.memory_space<vmem>>, vector<512x1xf32>
    %get3A_16 = arith.constant 0 : index
    %get3A_17 = arith.constant 0 : index
    %get3A_18 = vector.load %arg2[%get3A_16, %get3A_17] : memref<3x2048xf32, #tpu.memory_space<vmem>>, vector<1x2048xf32>
    %get3A_19 = arith.constant 1 : index
    %get3A_20 = arith.constant 0 : index
    %get3A_21 = vector.load %arg2[%get3A_19, %get3A_20] : memref<3x2048xf32, #tpu.memory_space<vmem>>, vector<1x2048xf32>
    %get3A_22 = arith.constant 2 : index
    %get3A_23 = arith.constant 0 : index
    %get3A_24 = vector.load %arg2[%get3A_22, %get3A_23] : memref<3x2048xf32, #tpu.memory_space<vmem>>, vector<1x2048xf32>
    %mul3A = arith.mulf %get3A_9, %get3A_9 : vector<512x1xf32>
    %mul3A_25 = arith.mulf %get3A_12, %get3A_12 : vector<512x1xf32>
    %add3A = arith.addf %mul3A, %mul3A_25 : vector<512x1xf32>
    %mul3A_26 = arith.mulf %get3A_15, %get3A_15 : vector<512x1xf32>
    %add3A_27 = arith.addf %add3A, %mul3A_26 : vector<512x1xf32>
    %mul3A_28 = arith.mulf %get3A_18, %get3A_18 : vector<1x2048xf32>
    %mul3A_29 = arith.mulf %get3A_21, %get3A_21 : vector<1x2048xf32>
    %add3A_30 = arith.addf %mul3A_28, %mul3A_29 : vector<1x2048xf32>
    %mul3A_31 = arith.mulf %get3A_24, %get3A_24 : vector<1x2048xf32>
    %add3A_32 = arith.addf %add3A_30, %mul3A_31 : vector<1x2048xf32>
    %sub3A = vector.broadcast %get3A_9 : vector<512x1xf32> to vector<512x2048xf32>
    %sub3A_33 = vector.broadcast %get3A_18 : vector<1x2048xf32> to vector<512x2048xf32>
    %sub3A_34 = arith.subf %sub3A, %sub3A_33 : vector<512x2048xf32>
    %sub3A_35 = vector.broadcast %get3A_12 : vector<512x1xf32> to vector<512x2048xf32>
    %sub3A_36 = vector.broadcast %get3A_21 : vector<1x2048xf32> to vector<512x2048xf32>
    %sub3A_37 = arith.subf %sub3A_35, %sub3A_36 : vector<512x2048xf32>
    %sub3A_38 = vector.broadcast %get3A_15 : vector<512x1xf32> to vector<512x2048xf32>
    %sub3A_39 = vector.broadcast %get3A_24 : vector<1x2048xf32> to vector<512x2048xf32>
    %sub3A_40 = arith.subf %sub3A_38, %sub3A_39 : vector<512x2048xf32>
    %mul3A_41 = arith.mulf %sub3A_34, %sub3A_34 : vector<512x2048xf32>
    %mul3A_42 = arith.mulf %sub3A_37, %sub3A_37 : vector<512x2048xf32>
    %add3A_43 = arith.addf %mul3A_41, %mul3A_42 : vector<512x2048xf32>
    %mul3A_44 = arith.mulf %sub3A_40, %sub3A_40 : vector<512x2048xf32>
    %add3A_45 = arith.addf %add3A_43, %mul3A_44 : vector<512x2048xf32>
    %mul3A_46 = arith.constant 2.000000e+00 : f32
    %mul3A_47 = arith.mulf %mul3A_46, %get3A_2 : f32
    %mul3A_48 = vector.broadcast %mul3A_47 : f32 to vector<512x2048xf32>
    %mul3A_49 = arith.mulf %mul3A_48, %add3A_45 : vector<512x2048xf32>
    %mul3A_50 = vector.broadcast %get3A_2 : f32 to vector<512x1xf32>
    %mul3A_51 = arith.mulf %mul3A_50, %add3A_27 : vector<512x1xf32>
    %sub3A_52 = arith.constant 1.000000e+00 : f32
    %sub3A_53 = vector.broadcast %sub3A_52 : f32 to vector<512x1xf32>
    %sub3A_54 = arith.subf %sub3A_53, %mul3A_51 : vector<512x1xf32>
    %mul3A_55 = vector.broadcast %get3A_2 : f32 to vector<1x2048xf32>
    %mul3A_56 = arith.mulf %mul3A_55, %add3A_32 : vector<1x2048xf32>
    %sub3A_57 = arith.constant 1.000000e+00 : f32
    %sub3A_58 = vector.broadcast %sub3A_57 : f32 to vector<1x2048xf32>
    %sub3A_59 = arith.subf %sub3A_58, %mul3A_56 : vector<1x2048xf32>
    %mul3A_60 = vector.broadcast %sub3A_54 : vector<512x1xf32> to vector<512x2048xf32>
    %mul3A_61 = vector.broadcast %sub3A_59 : vector<1x2048xf32> to vector<512x2048xf32>
    %mul3A_62 = arith.mulf %mul3A_60, %mul3A_61 : vector<512x2048xf32>
    %add3A_63 = arith.constant 9.99999993E-9 : f32
    %add3A_64 = vector.broadcast %add3A_63 : f32 to vector<512x2048xf32>
    %add3A_65 = arith.addf %mul3A_62, %add3A_64 : vector<512x2048xf32>
    %div3A = arith.divf %mul3A_49, %add3A_65 : vector<512x2048xf32>
    %max3A = arith.constant 0.000000e+00 : f32
    %max3A_66 = vector.broadcast %max3A : f32 to vector<512x2048xf32>
    %max3A_67 = arith.maximumf %div3A, %max3A_66 : vector<512x2048xf32>
    %add3A_68 = arith.constant 2.000000e+00 : f32
    %add3A_69 = vector.broadcast %add3A_68 : f32 to vector<512x2048xf32>
    %add3A_70 = arith.addf %max3A_67, %add3A_69 : vector<512x2048xf32>
    %mul3A_71 = arith.mulf %max3A_67, %add3A_70 : vector<512x2048xf32>
    %sqrt3A = math.sqrt %mul3A_71 : vector<512x2048xf32>
    %add3A_72 = arith.addf %max3A_67, %sqrt3A : vector<512x2048xf32>
    %log1p3A = math.log1p %add3A_72 : vector<512x2048xf32>
    %mul3A_73 = vector.broadcast %get3A_6 : f32 to vector<512x2048xf32>
    %mul3A_74 = arith.mulf %log1p3A, %mul3A_73 : vector<512x2048xf32>
    %swap3A = arith.constant 0 : index
    %swap3A_75 = arith.constant 0 : index
    %swap3A_76 = vector.load %arg4[%swap3A, %swap3A_75] : memref<512x2048xf32, #tpu.memory_space<vmem>>, vector<512x2048xf32>
    tpu.vector_store %arg4[%swap3A, %swap3A_75], %mul3A_74 {strides = array<i32>} : memref<512x2048xf32, #tpu.memory_space<vmem>>, vector<512x2048xf32>,
    return
  }
  func.func @transform_0(%arg0: i32) -> (i32, i32) {
    %c0_i32 = arith.constant 0 : i32
    %c0_i32_0 = arith.constant 0 : i32
    return %arg0, %c0_i32 : i32, i32
  }
  func.func @transform_1(%arg0: i32) -> (i32, i32) {
    %c0_i32 = arith.constant 0 : i32
    %c0_i32_0 = arith.constant 0 : i32
    %c0_i32_1 = arith.constant 0 : i32
    return %c0_i32, %c0_i32_0 : i32, i32
  }
  func.func @transform_2(%arg0: i32) -> (i32, i32) {
    %c0_i32 = arith.constant 0 : i32
    %c0_i32_0 = arith.constant 0 : i32
    %c0_i32_1 = arith.constant 0 : i32
    return %c0_i32, %c0_i32_0 : i32, i32
  }
  func.func @transform_3(%arg0: i32) -> (i32, i32) {
    %c0_i32 = arith.constant 0 : i32
    %c0_i32_0 = arith.constant 0 : i32
    return %arg0, %c0_i32 : i32, i32
  }
}

module attributes {stable_mosaic.version = 14 : i64} {
  func.func @_qkv_kernel(%arg0: i32, %arg1: memref<512x768xf32, #tpu.memory_space<vmem>>, %arg2: memref<1x768xf32, #tpu.memory_space<vmem>>, %arg3: memref<1x768xf32, #tpu.memory_space<vmem>>, %arg4: memref<768x768xbf16, #tpu.memory_space<vmem>>, %arg5: memref<1x768xf32, #tpu.memory_space<vmem>>, %arg6: memref<768x768xbf16, #tpu.memory_space<vmem>>, %arg7: memref<1x768xf32, #tpu.memory_space<vmem>>, %arg8: memref<768x768xbf16, #tpu.memory_space<vmem>>, %arg9: memref<1x768xf32, #tpu.memory_space<vmem>>, %arg10: memref<512x768xf8E4M3FN, #tpu.memory_space<vmem>>, %arg11: memref<512x768xf8E4M3FN, #tpu.memory_space<vmem>>, %arg12: memref<512x768xbf16, #tpu.memory_space<vmem>>) attributes {dimension_semantics = [#tpu.dimension_semantics<parallel>], iteration_bounds = array<i64: 4>, scalar_prefetch = 0 : i64, scratch_operands = 0 : i64, tpu.core_type = #tpu.core_type<tc>, window_params = [{transform_indices = @transform_0, window_bounds = array<i64: 512, 768>}, {pipeline_mode = #tpu.pipeline_mode<synchronous>, transform_indices = @transform_1, window_bounds = array<i64: 1, 768>}, {pipeline_mode = #tpu.pipeline_mode<synchronous>, transform_indices = @transform_2, window_bounds = array<i64: 1, 768>}, {pipeline_mode = #tpu.pipeline_mode<synchronous>, transform_indices = @transform_3, window_bounds = array<i64: 768, 768>}, {pipeline_mode = #tpu.pipeline_mode<synchronous>, transform_indices = @transform_4, window_bounds = array<i64: 1, 768>}, {pipeline_mode = #tpu.pipeline_mode<synchronous>, transform_indices = @transform_5, window_bounds = array<i64: 768, 768>}, {pipeline_mode = #tpu.pipeline_mode<synchronous>, transform_indices = @transform_6, window_bounds = array<i64: 1, 768>}, {pipeline_mode = #tpu.pipeline_mode<synchronous>, transform_indices = @transform_7, window_bounds = array<i64: 768, 768>}, {pipeline_mode = #tpu.pipeline_mode<synchronous>, transform_indices = @transform_8, window_bounds = array<i64: 1, 768>}, {transform_indices = @transform_9, window_bounds = array<i64: 512, 768>}, {transform_indices = @transform_10, window_bounds = array<i64: 512, 768>}, {transform_indices = @transform_11, window_bounds = array<i64: 512, 768>}]} {
    %get3A = arith.constant 0 : index
    %get3A_0 = arith.constant 0 : index
    %get3A_1 = vector.load %arg1[%get3A, %get3A_0] : memref<512x768xf32, #tpu.memory_space<vmem>>, vector<512x768xf32>
    %reduce_sum3A = arith.constant dense<0.000000e+00> : vector<512xf32>
    %reduce_sum3A_2 = vector.multi_reduction <add>, %get3A_1, %reduce_sum3A [1] : vector<512x768xf32> to vector<512xf32>
    %broadcast_in_dim3A = vector.shape_cast %reduce_sum3A_2 : vector<512xf32> to vector<512x1xf32>
    %div3A = arith.constant 7.680000e+02 : f32
    %div3A_3 = vector.broadcast %div3A : f32 to vector<512x1xf32>
    %div3A_4 = arith.divf %broadcast_in_dim3A, %div3A_3 : vector<512x1xf32>
    %sub3A = vector.broadcast %div3A_4 : vector<512x1xf32> to vector<512x768xf32>
    %sub3A_5 = arith.subf %get3A_1, %sub3A : vector<512x768xf32>
    %mul3A = arith.mulf %sub3A_5, %sub3A_5 : vector<512x768xf32>
    %reduce_sum3A_6 = arith.constant dense<0.000000e+00> : vector<512xf32>
    %reduce_sum3A_7 = vector.multi_reduction <add>, %mul3A, %reduce_sum3A_6 [1] : vector<512x768xf32> to vector<512xf32>
    %broadcast_in_dim3A_8 = vector.shape_cast %reduce_sum3A_7 : vector<512xf32> to vector<512x1xf32>
    %div3A_9 = arith.constant 7.680000e+02 : f32
    %div3A_10 = vector.broadcast %div3A_9 : f32 to vector<512x1xf32>
    %div3A_11 = arith.divf %broadcast_in_dim3A_8, %div3A_10 : vector<512x1xf32>
    %add3A = arith.constant 9.99999974E-6 : f32
    %add3A_12 = vector.broadcast %add3A : f32 to vector<512x1xf32>
    %add3A_13 = arith.addf %div3A_11, %add3A_12 : vector<512x1xf32>
    %rsqrt3A = math.rsqrt %add3A_13 : vector<512x1xf32>
    %mul3A_14 = vector.broadcast %rsqrt3A : vector<512x1xf32> to vector<512x768xf32>
    %mul3A_15 = arith.mulf %sub3A_5, %mul3A_14 : vector<512x768xf32>
    %get3A_16 = arith.constant 0 : index
    %get3A_17 = arith.constant 0 : index
    %get3A_18 = vector.load %arg2[%get3A_16, %get3A_17] : memref<1x768xf32, #tpu.memory_space<vmem>>, vector<1x768xf32>
    %mul3A_19 = vector.broadcast %get3A_18 : vector<1x768xf32> to vector<512x768xf32>
    %mul3A_20 = arith.mulf %mul3A_15, %mul3A_19 : vector<512x768xf32>
    %get3A_21 = arith.constant 0 : index
    %get3A_22 = arith.constant 0 : index
    %get3A_23 = vector.load %arg3[%get3A_21, %get3A_22] : memref<1x768xf32, #tpu.memory_space<vmem>>, vector<1x768xf32>
    %add3A_24 = vector.broadcast %get3A_23 : vector<1x768xf32> to vector<512x768xf32>
    %add3A_25 = arith.addf %mul3A_20, %add3A_24 : vector<512x768xf32>
    %convert_element_type3A = arith.truncf %add3A_25 : vector<512x768xf32> to vector<512x768xbf16>
    %get3A_26 = arith.constant 0 : index
    %get3A_27 = arith.constant 0 : index
    %get3A_28 = vector.load %arg4[%get3A_26, %get3A_27] : memref<768x768xbf16, #tpu.memory_space<vmem>>, vector<768x768xbf16>
    %dot_general3A = arith.constant dense<0.000000e+00> : vector<512x768xf32>
    %dot_general3A_29 = tpu.matmul %convert_element_type3A, %get3A_28, %dot_general3A {dimension_numbers = #tpu.dot_dimension_numbers<[1], [0], [0], [1], [0, 0, 1, 1], [], []>, transpose_lhs_hint = false} : vector<512x768xbf16>, vector<768x768xbf16>, vector<512x768xf32> -> vector<512x768xf32>
    %get3A_30 = arith.constant 0 : index
    %get3A_31 = arith.constant 0 : index
    %get3A_32 = vector.load %arg5[%get3A_30, %get3A_31] : memref<1x768xf32, #tpu.memory_space<vmem>>, vector<1x768xf32>
    %add3A_33 = vector.broadcast %get3A_32 : vector<1x768xf32> to vector<512x768xf32>
    %add3A_34 = arith.addf %dot_general3A_29, %add3A_33 : vector<512x768xf32>
    %get3A_35 = arith.constant 0 : index
    %get3A_36 = arith.constant 0 : index
    %get3A_37 = vector.load %arg6[%get3A_35, %get3A_36] : memref<768x768xbf16, #tpu.memory_space<vmem>>, vector<768x768xbf16>
    %dot_general3A_38 = arith.constant dense<0.000000e+00> : vector<512x768xf32>
    %dot_general3A_39 = tpu.matmul %convert_element_type3A, %get3A_37, %dot_general3A_38 {dimension_numbers = #tpu.dot_dimension_numbers<[1], [0], [0], [1], [0, 0, 1, 1], [], []>, transpose_lhs_hint = false} : vector<512x768xbf16>, vector<768x768xbf16>, vector<512x768xf32> -> vector<512x768xf32>
    %get3A_40 = arith.constant 0 : index
    %get3A_41 = arith.constant 0 : index
    %get3A_42 = vector.load %arg7[%get3A_40, %get3A_41] : memref<1x768xf32, #tpu.memory_space<vmem>>, vector<1x768xf32>
    %add3A_43 = vector.broadcast %get3A_42 : vector<1x768xf32> to vector<512x768xf32>
    %add3A_44 = arith.addf %dot_general3A_39, %add3A_43 : vector<512x768xf32>
    %get3A_45 = arith.constant 0 : index
    %get3A_46 = arith.constant 0 : index
    %get3A_47 = vector.load %arg8[%get3A_45, %get3A_46] : memref<768x768xbf16, #tpu.memory_space<vmem>>, vector<768x768xbf16>
    %dot_general3A_48 = arith.constant dense<0.000000e+00> : vector<512x768xf32>
    %dot_general3A_49 = tpu.matmul %convert_element_type3A, %get3A_47, %dot_general3A_48 {dimension_numbers = #tpu.dot_dimension_numbers<[1], [0], [0], [1], [0, 0, 1, 1], [], []>, transpose_lhs_hint = false} : vector<512x768xbf16>, vector<768x768xbf16>, vector<512x768xf32> -> vector<512x768xf32>
    %get3A_50 = arith.constant 0 : index
    %get3A_51 = arith.constant 0 : index
    %get3A_52 = vector.load %arg9[%get3A_50, %get3A_51] : memref<1x768xf32, #tpu.memory_space<vmem>>, vector<1x768xf32>
    %add3A_53 = vector.broadcast %get3A_52 : vector<1x768xf32> to vector<512x768xf32>
    %add3A_54 = arith.addf %dot_general3A_49, %add3A_53 : vector<512x768xf32>
    %mul3A_55 = arith.constant 0.180336878 : f32
    %mul3A_56 = vector.broadcast %mul3A_55 : f32 to vector<512x768xf32>
    %mul3A_57 = arith.mulf %add3A_34, %mul3A_56 : vector<512x768xf32>
    %convert_element_type3A_58 = arith.truncf %mul3A_57 : vector<512x768xf32> to vector<512x768xf8E4M3FN>
    %swap3A = arith.constant 0 : index
    %swap3A_59 = arith.constant 0 : index
    %swap3A_60 = vector.load %arg10[%swap3A, %swap3A_59] : memref<512x768xf8E4M3FN, #tpu.memory_space<vmem>>, vector<512x768xf8E4M3FN>
    tpu.vector_store %arg10[%swap3A, %swap3A_59], %convert_element_type3A_58 {strides = array<i32>} : memref<512x768xf8E4M3FN, #tpu.memory_space<vmem>>, vector<512x768xf8E4M3FN>,
    %convert_element_type3A_61 = arith.truncf %add3A_44 : vector<512x768xf32> to vector<512x768xf8E4M3FN>
    %swap3A_62 = arith.constant 0 : index
    %swap3A_63 = arith.constant 0 : index
    %swap3A_64 = vector.load %arg11[%swap3A_62, %swap3A_63] : memref<512x768xf8E4M3FN, #tpu.memory_space<vmem>>, vector<512x768xf8E4M3FN>
    tpu.vector_store %arg11[%swap3A_62, %swap3A_63], %convert_element_type3A_61 {strides = array<i32>} : memref<512x768xf8E4M3FN, #tpu.memory_space<vmem>>, vector<512x768xf8E4M3FN>,
    %convert_element_type3A_65 = arith.truncf %add3A_54 : vector<512x768xf32> to vector<512x768xbf16>
    %swap3A_66 = arith.constant 0 : index
    %swap3A_67 = arith.constant 0 : index
    %swap3A_68 = vector.load %arg12[%swap3A_66, %swap3A_67] : memref<512x768xbf16, #tpu.memory_space<vmem>>, vector<512x768xbf16>
    tpu.vector_store %arg12[%swap3A_66, %swap3A_67], %convert_element_type3A_65 {strides = array<i32>} : memref<512x768xbf16, #tpu.memory_space<vmem>>, vector<512x768xbf16>,
    return
  }
  func.func @transform_0(%arg0: i32) -> (i32, i32) {
    %c0_i32 = arith.constant 0 : i32
    %c0_i32_0 = arith.constant 0 : i32
    return %arg0, %c0_i32 : i32, i32
  }
  func.func @transform_1(%arg0: i32) -> (i32, i32) {
    %c0_i32 = arith.constant 0 : i32
    %c0_i32_0 = arith.constant 0 : i32
    %c0_i32_1 = arith.constant 0 : i32
    return %c0_i32, %c0_i32_0 : i32, i32
  }
  func.func @transform_2(%arg0: i32) -> (i32, i32) {
    %c0_i32 = arith.constant 0 : i32
    %c0_i32_0 = arith.constant 0 : i32
    %c0_i32_1 = arith.constant 0 : i32
    return %c0_i32, %c0_i32_0 : i32, i32
  }
  func.func @transform_3(%arg0: i32) -> (i32, i32) {
    %c0_i32 = arith.constant 0 : i32
    %c0_i32_0 = arith.constant 0 : i32
    %c0_i32_1 = arith.constant 0 : i32
    return %c0_i32, %c0_i32_0 : i32, i32
  }
  func.func @transform_4(%arg0: i32) -> (i32, i32) {
    %c0_i32 = arith.constant 0 : i32
    %c0_i32_0 = arith.constant 0 : i32
    %c0_i32_1 = arith.constant 0 : i32
    return %c0_i32, %c0_i32_0 : i32, i32
  }
  func.func @transform_5(%arg0: i32) -> (i32, i32) {
    %c0_i32 = arith.constant 0 : i32
    %c0_i32_0 = arith.constant 0 : i32
    %c0_i32_1 = arith.constant 0 : i32
    return %c0_i32, %c0_i32_0 : i32, i32
  }
  func.func @transform_6(%arg0: i32) -> (i32, i32) {
    %c0_i32 = arith.constant 0 : i32
    %c0_i32_0 = arith.constant 0 : i32
    %c0_i32_1 = arith.constant 0 : i32
    return %c0_i32, %c0_i32_0 : i32, i32
  }
  func.func @transform_7(%arg0: i32) -> (i32, i32) {
    %c0_i32 = arith.constant 0 : i32
    %c0_i32_0 = arith.constant 0 : i32
    %c0_i32_1 = arith.constant 0 : i32
    return %c0_i32, %c0_i32_0 : i32, i32
  }
  func.func @transform_8(%arg0: i32) -> (i32, i32) {
    %c0_i32 = arith.constant 0 : i32
    %c0_i32_0 = arith.constant 0 : i32
    %c0_i32_1 = arith.constant 0 : i32
    return %c0_i32, %c0_i32_0 : i32, i32
  }
  func.func @transform_9(%arg0: i32) -> (i32, i32) {
    %c0_i32 = arith.constant 0 : i32
    %c0_i32_0 = arith.constant 0 : i32
    return %arg0, %c0_i32 : i32, i32
  }
  func.func @transform_10(%arg0: i32) -> (i32, i32) {
    %c0_i32 = arith.constant 0 : i32
    %c0_i32_0 = arith.constant 0 : i32
    return %arg0, %c0_i32 : i32, i32
  }
  func.func @transform_11(%arg0: i32) -> (i32, i32) {
    %c0_i32 = arith.constant 0 : i32
    %c0_i32_0 = arith.constant 0 : i32
    return %arg0, %c0_i32 : i32, i32
  }
}

module attributes {stable_mosaic.version = 14 : i64} {
  func.func @_attn_ffn_kernel(%arg0: i32, %arg1: memref<512x768xf8E4M3FN, #tpu.memory_space<vmem>>, %arg2: memref<2048x768xf8E4M3FN, #tpu.memory_space<vmem>>, %arg3: memref<2048x768xbf16, #tpu.memory_space<vmem>>, %arg4: memref<2048x512xf32, #tpu.memory_space<vmem>>, %arg5: memref<1x512xf32, #tpu.memory_space<vmem>>, %arg6: memref<512x768xf32, #tpu.memory_space<vmem>>, %arg7: memref<768x768xbf16, #tpu.memory_space<vmem>>, %arg8: memref<1x768xf32, #tpu.memory_space<vmem>>, %arg9: memref<1x768xf32, #tpu.memory_space<vmem>>, %arg10: memref<1x768xf32, #tpu.memory_space<vmem>>, %arg11: memref<768x3072xbf16, #tpu.memory_space<vmem>>, %arg12: memref<1x3072xf32, #tpu.memory_space<vmem>>, %arg13: memref<3072x768xbf16, #tpu.memory_space<vmem>>, %arg14: memref<1x768xf32, #tpu.memory_space<vmem>>, %arg15: memref<512x768xf32, #tpu.memory_space<vmem>>) attributes {dimension_semantics = [#tpu.dimension_semantics<parallel>], iteration_bounds = array<i64: 4>, scalar_prefetch = 0 : i64, scratch_operands = 0 : i64, tpu.core_type = #tpu.core_type<tc>, window_params = [{transform_indices = @transform_0, window_bounds = array<i64: 512, 768>}, {pipeline_mode = #tpu.pipeline_mode<synchronous>, transform_indices = @transform_1, window_bounds = array<i64: 2048, 768>}, {pipeline_mode = #tpu.pipeline_mode<synchronous>, transform_indices = @transform_2, window_bounds = array<i64: 2048, 768>}, {transform_indices = @transform_3, window_bounds = array<i64: 2048, 512>}, {transform_indices = @transform_4, window_bounds = array<i64: 1, 512>}, {transform_indices = @transform_5, window_bounds = array<i64: 512, 768>}, {pipeline_mode = #tpu.pipeline_mode<synchronous>, transform_indices = @transform_6, window_bounds = array<i64: 768, 768>}, {pipeline_mode = #tpu.pipeline_mode<synchronous>, transform_indices = @transform_7, window_bounds = array<i64: 1, 768>}, {pipeline_mode = #tpu.pipeline_mode<synchronous>, transform_indices = @transform_8, window_bounds = array<i64: 1, 768>}, {pipeline_mode = #tpu.pipeline_mode<synchronous>, transform_indices = @transform_9, window_bounds = array<i64: 1, 768>}, {pipeline_mode = #tpu.pipeline_mode<synchronous>, transform_indices = @transform_10, window_bounds = array<i64: 768, 3072>}, {pipeline_mode = #tpu.pipeline_mode<synchronous>, transform_indices = @transform_11, window_bounds = array<i64: 1, 3072>}, {pipeline_mode = #tpu.pipeline_mode<synchronous>, transform_indices = @transform_12, window_bounds = array<i64: 3072, 768>}, {pipeline_mode = #tpu.pipeline_mode<synchronous>, transform_indices = @transform_13, window_bounds = array<i64: 1, 768>}, {transform_indices = @transform_14, window_bounds = array<i64: 512, 768>}]} {
    %get3A = arith.constant 0 : index
    %get3A_0 = arith.constant 0 : index
    %get3A_1 = vector.load %arg4[%get3A, %get3A_0] : memref<2048x512xf32, #tpu.memory_space<vmem>>, vector<2048x512xf32>
    %get3A_2 = arith.constant 0 : index
    %get3A_3 = arith.constant 0 : index
    %get3A_4 = vector.load %arg5[%get3A_2, %get3A_3] : memref<1x512xf32, #tpu.memory_space<vmem>>, vector<1x512xf32>
    %le3A = vector.broadcast %get3A_4 : vector<1x512xf32> to vector<2048x512xf32>
    %le3A_5 = arith.cmpf ole, %get3A_1, %le3A : vector<2048x512xf32>
    %neg3A = arith.constant 0.000000e+00 : f32
    %neg3A_6 = vector.broadcast %neg3A : f32 to vector<2048x512xf32>
    %neg3A_7 = arith.subf %neg3A_6, %get3A_1 : vector<2048x512xf32>
    %jit3A = arith.constant -1.000000e+30 : f32
    %broadcast_in_dim3A = vector.broadcast %jit3A : f32 to vector<2048x512xf32>
    %select_n3A = arith.select %le3A_5, %neg3A_7, %broadcast_in_dim3A : vector<2048x512xi1>, vector<2048x512xf32>
    %get3A_8 = arith.constant 0 : index
    %get3A_9 = arith.constant 0 : index
    %get3A_10 = vector.load %arg1[%get3A_8, %get3A_9] : memref<512x768xf8E4M3FN, #tpu.memory_space<vmem>>, vector<512x64xf8E4M3FN>
    %get3A_11 = arith.constant 0 : index
    %get3A_12 = arith.constant 0 : index
    %get3A_13 = vector.load %arg2[%get3A_11, %get3A_12] : memref<2048x768xf8E4M3FN, #tpu.memory_space<vmem>>, vector<2048x64xf8E4M3FN>
    %get3A_14 = arith.constant 0 : index
    %get3A_15 = arith.constant 0 : index
    %get3A_16 = vector.load %arg3[%get3A_14, %get3A_15] : memref<2048x768xbf16, #tpu.memory_space<vmem>>, vector<2048x64xbf16>
    %dot_general3A = arith.constant dense<0.000000e+00> : vector<2048x512xf32>
    %dot_general3A_17 = tpu.matmul %get3A_13, %get3A_10, %dot_general3A {dimension_numbers = #tpu.dot_dimension_numbers<[1], [1], [0], [0], [0, 0, 1, 0], [], []>, transpose_lhs_hint = false} : vector<2048x64xf8E4M3FN>, vector<512x64xf8E4M3FN>, vector<2048x512xf32> -> vector<2048x512xf32>
    %add3A = arith.addf %dot_general3A_17, %select_n3A : vector<2048x512xf32>
    %exp23A = math.exp2 %add3A : vector<2048x512xf32>
    %reduce_sum3A = arith.constant dense<0.000000e+00> : vector<512xf32>
    %reduce_sum3A_18 = vector.multi_reduction <add>, %exp23A, %reduce_sum3A [0] : vector<2048x512xf32> to vector<512xf32>
    %broadcast_in_dim3A_19 = vector.shape_cast %reduce_sum3A_18 : vector<512xf32> to vector<1x512xf32>
    %convert_element_type3A = arith.truncf %exp23A : vector<2048x512xf32> to vector<2048x512xbf16>
    %dot_general3A_20 = arith.constant dense<0.000000e+00> : vector<64x512xf32>
    %dot_general3A_21 = tpu.matmul %get3A_16, %convert_element_type3A, %dot_general3A_20 {dimension_numbers = #tpu.dot_dimension_numbers<[0], [0], [1], [1], [0, 1, 1, 1], [], []>, transpose_lhs_hint = false} : vector<2048x64xbf16>, vector<2048x512xbf16>, vector<64x512xf32> -> vector<64x512xf32>
    %div3A = arith.constant 1.000000e+00 : f32
    %div3A_22 = vector.broadcast %div3A : f32 to vector<1x512xf32>
    %div3A_23 = arith.divf %div3A_22, %broadcast_in_dim3A_19 : vector<1x512xf32>
    %mul3A = vector.broadcast %div3A_23 : vector<1x512xf32> to vector<64x512xf32>
    %mul3A_24 = arith.mulf %dot_general3A_21, %mul3A : vector<64x512xf32>
    %convert_element_type3A_25 = arith.truncf %mul3A_24 : vector<64x512xf32> to vector<64x512xbf16>
    %get3A_26 = arith.constant 0 : index
    %get3A_27 = arith.constant 64 : index
    %get3A_28 = vector.load %arg1[%get3A_26, %get3A_27] : memref<512x768xf8E4M3FN, #tpu.memory_space<vmem>>, vector<512x64xf8E4M3FN>
    %get3A_29 = arith.constant 0 : index
    %get3A_30 = arith.constant 64 : index
    %get3A_31 = vector.load %arg2[%get3A_29, %get3A_30] : memref<2048x768xf8E4M3FN, #tpu.memory_space<vmem>>, vector<2048x64xf8E4M3FN>
    %get3A_32 = arith.constant 0 : index
    %get3A_33 = arith.constant 64 : index
    %get3A_34 = vector.load %arg3[%get3A_32, %get3A_33] : memref<2048x768xbf16, #tpu.memory_space<vmem>>, vector<2048x64xbf16>
    %dot_general3A_35 = arith.constant dense<0.000000e+00> : vector<2048x512xf32>
    %dot_general3A_36 = tpu.matmul %get3A_31, %get3A_28, %dot_general3A_35 {dimension_numbers = #tpu.dot_dimension_numbers<[1], [1], [0], [0], [0, 0, 1, 0], [], []>, transpose_lhs_hint = false} : vector<2048x64xf8E4M3FN>, vector<512x64xf8E4M3FN>, vector<2048x512xf32> -> vector<2048x512xf32>
    %add3A_37 = arith.addf %dot_general3A_36, %select_n3A : vector<2048x512xf32>
    %exp23A_38 = math.exp2 %add3A_37 : vector<2048x512xf32>
    %reduce_sum3A_39 = arith.constant dense<0.000000e+00> : vector<512xf32>
    %reduce_sum3A_40 = vector.multi_reduction <add>, %exp23A_38, %reduce_sum3A_39 [0] : vector<2048x512xf32> to vector<512xf32>
    %broadcast_in_dim3A_41 = vector.shape_cast %reduce_sum3A_40 : vector<512xf32> to vector<1x512xf32>
    %convert_element_type3A_42 = arith.truncf %exp23A_38 : vector<2048x512xf32> to vector<2048x512xbf16>
    %dot_general3A_43 = arith.constant dense<0.000000e+00> : vector<64x512xf32>
    %dot_general3A_44 = tpu.matmul %get3A_34, %convert_element_type3A_42, %dot_general3A_43 {dimension_numbers = #tpu.dot_dimension_numbers<[0], [0], [1], [1], [0, 1, 1, 1], [], []>, transpose_lhs_hint = false} : vector<2048x64xbf16>, vector<2048x512xbf16>, vector<64x512xf32> -> vector<64x512xf32>
    %div3A_45 = arith.constant 1.000000e+00 : f32
    %div3A_46 = vector.broadcast %div3A_45 : f32 to vector<1x512xf32>
    %div3A_47 = arith.divf %div3A_46, %broadcast_in_dim3A_41 : vector<1x512xf32>
    %mul3A_48 = vector.broadcast %div3A_47 : vector<1x512xf32> to vector<64x512xf32>
    %mul3A_49 = arith.mulf %dot_general3A_44, %mul3A_48 : vector<64x512xf32>
    %convert_element_type3A_50 = arith.truncf %mul3A_49 : vector<64x512xf32> to vector<64x512xbf16>
    %get3A_51 = arith.constant 0 : index
    %get3A_52 = arith.constant 128 : index
    %get3A_53 = vector.load %arg1[%get3A_51, %get3A_52] : memref<512x768xf8E4M3FN, #tpu.memory_space<vmem>>, vector<512x64xf8E4M3FN>
    %get3A_54 = arith.constant 0 : index
    %get3A_55 = arith.constant 128 : index
    %get3A_56 = vector.load %arg2[%get3A_54, %get3A_55] : memref<2048x768xf8E4M3FN, #tpu.memory_space<vmem>>, vector<2048x64xf8E4M3FN>
    %get3A_57 = arith.constant 0 : index
    %get3A_58 = arith.constant 128 : index
    %get3A_59 = vector.load %arg3[%get3A_57, %get3A_58] : memref<2048x768xbf16, #tpu.memory_space<vmem>>, vector<2048x64xbf16>
    %dot_general3A_60 = arith.constant dense<0.000000e+00> : vector<2048x512xf32>
    %dot_general3A_61 = tpu.matmul %get3A_56, %get3A_53, %dot_general3A_60 {dimension_numbers = #tpu.dot_dimension_numbers<[1], [1], [0], [0], [0, 0, 1, 0], [], []>, transpose_lhs_hint = false} : vector<2048x64xf8E4M3FN>, vector<512x64xf8E4M3FN>, vector<2048x512xf32> -> vector<2048x512xf32>
    %add3A_62 = arith.addf %dot_general3A_61, %select_n3A : vector<2048x512xf32>
    %exp23A_63 = math.exp2 %add3A_62 : vector<2048x512xf32>
    %reduce_sum3A_64 = arith.constant dense<0.000000e+00> : vector<512xf32>
    %reduce_sum3A_65 = vector.multi_reduction <add>, %exp23A_63, %reduce_sum3A_64 [0] : vector<2048x512xf32> to vector<512xf32>
    %broadcast_in_dim3A_66 = vector.shape_cast %reduce_sum3A_65 : vector<512xf32> to vector<1x512xf32>
    %convert_element_type3A_67 = arith.truncf %exp23A_63 : vector<2048x512xf32> to vector<2048x512xbf16>
    %dot_general3A_68 = arith.constant dense<0.000000e+00> : vector<64x512xf32>
    %dot_general3A_69 = tpu.matmul %get3A_59, %convert_element_type3A_67, %dot_general3A_68 {dimension_numbers = #tpu.dot_dimension_numbers<[0], [0], [1], [1], [0, 1, 1, 1], [], []>, transpose_lhs_hint = false} : vector<2048x64xbf16>, vector<2048x512xbf16>, vector<64x512xf32> -> vector<64x512xf32>
    %div3A_70 = arith.constant 1.000000e+00 : f32
    %div3A_71 = vector.broadcast %div3A_70 : f32 to vector<1x512xf32>
    %div3A_72 = arith.divf %div3A_71, %broadcast_in_dim3A_66 : vector<1x512xf32>
    %mul3A_73 = vector.broadcast %div3A_72 : vector<1x512xf32> to vector<64x512xf32>
    %mul3A_74 = arith.mulf %dot_general3A_69, %mul3A_73 : vector<64x512xf32>
    %convert_element_type3A_75 = arith.truncf %mul3A_74 : vector<64x512xf32> to vector<64x512xbf16>
    %get3A_76 = arith.constant 0 : index
    %get3A_77 = arith.constant 192 : index
    %get3A_78 = vector.load %arg1[%get3A_76, %get3A_77] : memref<512x768xf8E4M3FN, #tpu.memory_space<vmem>>, vector<512x64xf8E4M3FN>
    %get3A_79 = arith.constant 0 : index
    %get3A_80 = arith.constant 192 : index
    %get3A_81 = vector.load %arg2[%get3A_79, %get3A_80] : memref<2048x768xf8E4M3FN, #tpu.memory_space<vmem>>, vector<2048x64xf8E4M3FN>
    %get3A_82 = arith.constant 0 : index
    %get3A_83 = arith.constant 192 : index
    %get3A_84 = vector.load %arg3[%get3A_82, %get3A_83] : memref<2048x768xbf16, #tpu.memory_space<vmem>>, vector<2048x64xbf16>
    %dot_general3A_85 = arith.constant dense<0.000000e+00> : vector<2048x512xf32>
    %dot_general3A_86 = tpu.matmul %get3A_81, %get3A_78, %dot_general3A_85 {dimension_numbers = #tpu.dot_dimension_numbers<[1], [1], [0], [0], [0, 0, 1, 0], [], []>, transpose_lhs_hint = false} : vector<2048x64xf8E4M3FN>, vector<512x64xf8E4M3FN>, vector<2048x512xf32> -> vector<2048x512xf32>
    %add3A_87 = arith.addf %dot_general3A_86, %select_n3A : vector<2048x512xf32>
    %exp23A_88 = math.exp2 %add3A_87 : vector<2048x512xf32>
    %reduce_sum3A_89 = arith.constant dense<0.000000e+00> : vector<512xf32>
    %reduce_sum3A_90 = vector.multi_reduction <add>, %exp23A_88, %reduce_sum3A_89 [0] : vector<2048x512xf32> to vector<512xf32>
    %broadcast_in_dim3A_91 = vector.shape_cast %reduce_sum3A_90 : vector<512xf32> to vector<1x512xf32>
    %convert_element_type3A_92 = arith.truncf %exp23A_88 : vector<2048x512xf32> to vector<2048x512xbf16>
    %dot_general3A_93 = arith.constant dense<0.000000e+00> : vector<64x512xf32>
    %dot_general3A_94 = tpu.matmul %get3A_84, %convert_element_type3A_92, %dot_general3A_93 {dimension_numbers = #tpu.dot_dimension_numbers<[0], [0], [1], [1], [0, 1, 1, 1], [], []>, transpose_lhs_hint = false} : vector<2048x64xbf16>, vector<2048x512xbf16>, vector<64x512xf32> -> vector<64x512xf32>
    %div3A_95 = arith.constant 1.000000e+00 : f32
    %div3A_96 = vector.broadcast %div3A_95 : f32 to vector<1x512xf32>
    %div3A_97 = arith.divf %div3A_96, %broadcast_in_dim3A_91 : vector<1x512xf32>
    %mul3A_98 = vector.broadcast %div3A_97 : vector<1x512xf32> to vector<64x512xf32>
    %mul3A_99 = arith.mulf %dot_general3A_94, %mul3A_98 : vector<64x512xf32>
    %convert_element_type3A_100 = arith.truncf %mul3A_99 : vector<64x512xf32> to vector<64x512xbf16>
    %get3A_101 = arith.constant 0 : index
    %get3A_102 = arith.constant 256 : index
    %get3A_103 = vector.load %arg1[%get3A_101, %get3A_102] : memref<512x768xf8E4M3FN, #tpu.memory_space<vmem>>, vector<512x64xf8E4M3FN>
    %get3A_104 = arith.constant 0 : index
    %get3A_105 = arith.constant 256 : index
    %get3A_106 = vector.load %arg2[%get3A_104, %get3A_105] : memref<2048x768xf8E4M3FN, #tpu.memory_space<vmem>>, vector<2048x64xf8E4M3FN>
    %get3A_107 = arith.constant 0 : index
    %get3A_108 = arith.constant 256 : index
    %get3A_109 = vector.load %arg3[%get3A_107, %get3A_108] : memref<2048x768xbf16, #tpu.memory_space<vmem>>, vector<2048x64xbf16>
    %dot_general3A_110 = arith.constant dense<0.000000e+00> : vector<2048x512xf32>
    %dot_general3A_111 = tpu.matmul %get3A_106, %get3A_103, %dot_general3A_110 {dimension_numbers = #tpu.dot_dimension_numbers<[1], [1], [0], [0], [0, 0, 1, 0], [], []>, transpose_lhs_hint = false} : vector<2048x64xf8E4M3FN>, vector<512x64xf8E4M3FN>, vector<2048x512xf32> -> vector<2048x512xf32>
    %add3A_112 = arith.addf %dot_general3A_111, %select_n3A : vector<2048x512xf32>
    %exp23A_113 = math.exp2 %add3A_112 : vector<2048x512xf32>
    %reduce_sum3A_114 = arith.constant dense<0.000000e+00> : vector<512xf32>
    %reduce_sum3A_115 = vector.multi_reduction <add>, %exp23A_113, %reduce_sum3A_114 [0] : vector<2048x512xf32> to vector<512xf32>
    %broadcast_in_dim3A_116 = vector.shape_cast %reduce_sum3A_115 : vector<512xf32> to vector<1x512xf32>
    %convert_element_type3A_117 = arith.truncf %exp23A_113 : vector<2048x512xf32> to vector<2048x512xbf16>
    %dot_general3A_118 = arith.constant dense<0.000000e+00> : vector<64x512xf32>
    %dot_general3A_119 = tpu.matmul %get3A_109, %convert_element_type3A_117, %dot_general3A_118 {dimension_numbers = #tpu.dot_dimension_numbers<[0], [0], [1], [1], [0, 1, 1, 1], [], []>, transpose_lhs_hint = false} : vector<2048x64xbf16>, vector<2048x512xbf16>, vector<64x512xf32> -> vector<64x512xf32>
    %div3A_120 = arith.constant 1.000000e+00 : f32
    %div3A_121 = vector.broadcast %div3A_120 : f32 to vector<1x512xf32>
    %div3A_122 = arith.divf %div3A_121, %broadcast_in_dim3A_116 : vector<1x512xf32>
    %mul3A_123 = vector.broadcast %div3A_122 : vector<1x512xf32> to vector<64x512xf32>
    %mul3A_124 = arith.mulf %dot_general3A_119, %mul3A_123 : vector<64x512xf32>
    %convert_element_type3A_125 = arith.truncf %mul3A_124 : vector<64x512xf32> to vector<64x512xbf16>
    %get3A_126 = arith.constant 0 : index
    %get3A_127 = arith.constant 320 : index
    %get3A_128 = vector.load %arg1[%get3A_126, %get3A_127] : memref<512x768xf8E4M3FN, #tpu.memory_space<vmem>>, vector<512x64xf8E4M3FN>
    %get3A_129 = arith.constant 0 : index
    %get3A_130 = arith.constant 320 : index
    %get3A_131 = vector.load %arg2[%get3A_129, %get3A_130] : memref<2048x768xf8E4M3FN, #tpu.memory_space<vmem>>, vector<2048x64xf8E4M3FN>
    %get3A_132 = arith.constant 0 : index
    %get3A_133 = arith.constant 320 : index
    %get3A_134 = vector.load %arg3[%get3A_132, %get3A_133] : memref<2048x768xbf16, #tpu.memory_space<vmem>>, vector<2048x64xbf16>
    %dot_general3A_135 = arith.constant dense<0.000000e+00> : vector<2048x512xf32>
    %dot_general3A_136 = tpu.matmul %get3A_131, %get3A_128, %dot_general3A_135 {dimension_numbers = #tpu.dot_dimension_numbers<[1], [1], [0], [0], [0, 0, 1, 0], [], []>, transpose_lhs_hint = false} : vector<2048x64xf8E4M3FN>, vector<512x64xf8E4M3FN>, vector<2048x512xf32> -> vector<2048x512xf32>
    %add3A_137 = arith.addf %dot_general3A_136, %select_n3A : vector<2048x512xf32>
    %exp23A_138 = math.exp2 %add3A_137 : vector<2048x512xf32>
    %reduce_sum3A_139 = arith.constant dense<0.000000e+00> : vector<512xf32>
    %reduce_sum3A_140 = vector.multi_reduction <add>, %exp23A_138, %reduce_sum3A_139 [0] : vector<2048x512xf32> to vector<512xf32>
    %broadcast_in_dim3A_141 = vector.shape_cast %reduce_sum3A_140 : vector<512xf32> to vector<1x512xf32>
    %convert_element_type3A_142 = arith.truncf %exp23A_138 : vector<2048x512xf32> to vector<2048x512xbf16>
    %dot_general3A_143 = arith.constant dense<0.000000e+00> : vector<64x512xf32>
    %dot_general3A_144 = tpu.matmul %get3A_134, %convert_element_type3A_142, %dot_general3A_143 {dimension_numbers = #tpu.dot_dimension_numbers<[0], [0], [1], [1], [0, 1, 1, 1], [], []>, transpose_lhs_hint = false} : vector<2048x64xbf16>, vector<2048x512xbf16>, vector<64x512xf32> -> vector<64x512xf32>
    %div3A_145 = arith.constant 1.000000e+00 : f32
    %div3A_146 = vector.broadcast %div3A_145 : f32 to vector<1x512xf32>
    %div3A_147 = arith.divf %div3A_146, %broadcast_in_dim3A_141 : vector<1x512xf32>
    %mul3A_148 = vector.broadcast %div3A_147 : vector<1x512xf32> to vector<64x512xf32>
    %mul3A_149 = arith.mulf %dot_general3A_144, %mul3A_148 : vector<64x512xf32>
    %convert_element_type3A_150 = arith.truncf %mul3A_149 : vector<64x512xf32> to vector<64x512xbf16>
    %get3A_151 = arith.constant 0 : index
    %get3A_152 = arith.constant 384 : index
    %get3A_153 = vector.load %arg1[%get3A_151, %get3A_152] : memref<512x768xf8E4M3FN, #tpu.memory_space<vmem>>, vector<512x64xf8E4M3FN>
    %get3A_154 = arith.constant 0 : index
    %get3A_155 = arith.constant 384 : index
    %get3A_156 = vector.load %arg2[%get3A_154, %get3A_155] : memref<2048x768xf8E4M3FN, #tpu.memory_space<vmem>>, vector<2048x64xf8E4M3FN>
    %get3A_157 = arith.constant 0 : index
    %get3A_158 = arith.constant 384 : index
    %get3A_159 = vector.load %arg3[%get3A_157, %get3A_158] : memref<2048x768xbf16, #tpu.memory_space<vmem>>, vector<2048x64xbf16>
    %dot_general3A_160 = arith.constant dense<0.000000e+00> : vector<2048x512xf32>
    %dot_general3A_161 = tpu.matmul %get3A_156, %get3A_153, %dot_general3A_160 {dimension_numbers = #tpu.dot_dimension_numbers<[1], [1], [0], [0], [0, 0, 1, 0], [], []>, transpose_lhs_hint = false} : vector<2048x64xf8E4M3FN>, vector<512x64xf8E4M3FN>, vector<2048x512xf32> -> vector<2048x512xf32>
    %add3A_162 = arith.addf %dot_general3A_161, %select_n3A : vector<2048x512xf32>
    %exp23A_163 = math.exp2 %add3A_162 : vector<2048x512xf32>
    %reduce_sum3A_164 = arith.constant dense<0.000000e+00> : vector<512xf32>
    %reduce_sum3A_165 = vector.multi_reduction <add>, %exp23A_163, %reduce_sum3A_164 [0] : vector<2048x512xf32> to vector<512xf32>
    %broadcast_in_dim3A_166 = vector.shape_cast %reduce_sum3A_165 : vector<512xf32> to vector<1x512xf32>
    %convert_element_type3A_167 = arith.truncf %exp23A_163 : vector<2048x512xf32> to vector<2048x512xbf16>
    %dot_general3A_168 = arith.constant dense<0.000000e+00> : vector<64x512xf32>
    %dot_general3A_169 = tpu.matmul %get3A_159, %convert_element_type3A_167, %dot_general3A_168 {dimension_numbers = #tpu.dot_dimension_numbers<[0], [0], [1], [1], [0, 1, 1, 1], [], []>, transpose_lhs_hint = false} : vector<2048x64xbf16>, vector<2048x512xbf16>, vector<64x512xf32> -> vector<64x512xf32>
    %div3A_170 = arith.constant 1.000000e+00 : f32
    %div3A_171 = vector.broadcast %div3A_170 : f32 to vector<1x512xf32>
    %div3A_172 = arith.divf %div3A_171, %broadcast_in_dim3A_166 : vector<1x512xf32>
    %mul3A_173 = vector.broadcast %div3A_172 : vector<1x512xf32> to vector<64x512xf32>
    %mul3A_174 = arith.mulf %dot_general3A_169, %mul3A_173 : vector<64x512xf32>
    %convert_element_type3A_175 = arith.truncf %mul3A_174 : vector<64x512xf32> to vector<64x512xbf16>
    %get3A_176 = arith.constant 0 : index
    %get3A_177 = arith.constant 448 : index
    %get3A_178 = vector.load %arg1[%get3A_176, %get3A_177] : memref<512x768xf8E4M3FN, #tpu.memory_space<vmem>>, vector<512x64xf8E4M3FN>
    %get3A_179 = arith.constant 0 : index
    %get3A_180 = arith.constant 448 : index
    %get3A_181 = vector.load %arg2[%get3A_179, %get3A_180] : memref<2048x768xf8E4M3FN, #tpu.memory_space<vmem>>, vector<2048x64xf8E4M3FN>
    %get3A_182 = arith.constant 0 : index
    %get3A_183 = arith.constant 448 : index
    %get3A_184 = vector.load %arg3[%get3A_182, %get3A_183] : memref<2048x768xbf16, #tpu.memory_space<vmem>>, vector<2048x64xbf16>
    %dot_general3A_185 = arith.constant dense<0.000000e+00> : vector<2048x512xf32>
    %dot_general3A_186 = tpu.matmul %get3A_181, %get3A_178, %dot_general3A_185 {dimension_numbers = #tpu.dot_dimension_numbers<[1], [1], [0], [0], [0, 0, 1, 0], [], []>, transpose_lhs_hint = false} : vector<2048x64xf8E4M3FN>, vector<512x64xf8E4M3FN>, vector<2048x512xf32> -> vector<2048x512xf32>
    %add3A_187 = arith.addf %dot_general3A_186, %select_n3A : vector<2048x512xf32>
    %exp23A_188 = math.exp2 %add3A_187 : vector<2048x512xf32>
    %reduce_sum3A_189 = arith.constant dense<0.000000e+00> : vector<512xf32>
    %reduce_sum3A_190 = vector.multi_reduction <add>, %exp23A_188, %reduce_sum3A_189 [0] : vector<2048x512xf32> to vector<512xf32>
    %broadcast_in_dim3A_191 = vector.shape_cast %reduce_sum3A_190 : vector<512xf32> to vector<1x512xf32>
    %convert_element_type3A_192 = arith.truncf %exp23A_188 : vector<2048x512xf32> to vector<2048x512xbf16>
    %dot_general3A_193 = arith.constant dense<0.000000e+00> : vector<64x512xf32>
    %dot_general3A_194 = tpu.matmul %get3A_184, %convert_element_type3A_192, %dot_general3A_193 {dimension_numbers = #tpu.dot_dimension_numbers<[0], [0], [1], [1], [0, 1, 1, 1], [], []>, transpose_lhs_hint = false} : vector<2048x64xbf16>, vector<2048x512xbf16>, vector<64x512xf32> -> vector<64x512xf32>
    %div3A_195 = arith.constant 1.000000e+00 : f32
    %div3A_196 = vector.broadcast %div3A_195 : f32 to vector<1x512xf32>
    %div3A_197 = arith.divf %div3A_196, %broadcast_in_dim3A_191 : vector<1x512xf32>
    %mul3A_198 = vector.broadcast %div3A_197 : vector<1x512xf32> to vector<64x512xf32>
    %mul3A_199 = arith.mulf %dot_general3A_194, %mul3A_198 : vector<64x512xf32>
    %convert_element_type3A_200 = arith.truncf %mul3A_199 : vector<64x512xf32> to vector<64x512xbf16>
    %get3A_201 = arith.constant 0 : index
    %get3A_202 = arith.constant 512 : index
    %get3A_203 = vector.load %arg1[%get3A_201, %get3A_202] : memref<512x768xf8E4M3FN, #tpu.memory_space<vmem>>, vector<512x64xf8E4M3FN>
    %get3A_204 = arith.constant 0 : index
    %get3A_205 = arith.constant 512 : index
    %get3A_206 = vector.load %arg2[%get3A_204, %get3A_205] : memref<2048x768xf8E4M3FN, #tpu.memory_space<vmem>>, vector<2048x64xf8E4M3FN>
    %get3A_207 = arith.constant 0 : index
    %get3A_208 = arith.constant 512 : index
    %get3A_209 = vector.load %arg3[%get3A_207, %get3A_208] : memref<2048x768xbf16, #tpu.memory_space<vmem>>, vector<2048x64xbf16>
    %dot_general3A_210 = arith.constant dense<0.000000e+00> : vector<2048x512xf32>
    %dot_general3A_211 = tpu.matmul %get3A_206, %get3A_203, %dot_general3A_210 {dimension_numbers = #tpu.dot_dimension_numbers<[1], [1], [0], [0], [0, 0, 1, 0], [], []>, transpose_lhs_hint = false} : vector<2048x64xf8E4M3FN>, vector<512x64xf8E4M3FN>, vector<2048x512xf32> -> vector<2048x512xf32>
    %add3A_212 = arith.addf %dot_general3A_211, %select_n3A : vector<2048x512xf32>
    %exp23A_213 = math.exp2 %add3A_212 : vector<2048x512xf32>
    %reduce_sum3A_214 = arith.constant dense<0.000000e+00> : vector<512xf32>
    %reduce_sum3A_215 = vector.multi_reduction <add>, %exp23A_213, %reduce_sum3A_214 [0] : vector<2048x512xf32> to vector<512xf32>
    %broadcast_in_dim3A_216 = vector.shape_cast %reduce_sum3A_215 : vector<512xf32> to vector<1x512xf32>
    %convert_element_type3A_217 = arith.truncf %exp23A_213 : vector<2048x512xf32> to vector<2048x512xbf16>
    %dot_general3A_218 = arith.constant dense<0.000000e+00> : vector<64x512xf32>
    %dot_general3A_219 = tpu.matmul %get3A_209, %convert_element_type3A_217, %dot_general3A_218 {dimension_numbers = #tpu.dot_dimension_numbers<[0], [0], [1], [1], [0, 1, 1, 1], [], []>, transpose_lhs_hint = false} : vector<2048x64xbf16>, vector<2048x512xbf16>, vector<64x512xf32> -> vector<64x512xf32>
    %div3A_220 = arith.constant 1.000000e+00 : f32
    %div3A_221 = vector.broadcast %div3A_220 : f32 to vector<1x512xf32>
    %div3A_222 = arith.divf %div3A_221, %broadcast_in_dim3A_216 : vector<1x512xf32>
    %mul3A_223 = vector.broadcast %div3A_222 : vector<1x512xf32> to vector<64x512xf32>
    %mul3A_224 = arith.mulf %dot_general3A_219, %mul3A_223 : vector<64x512xf32>
    %convert_element_type3A_225 = arith.truncf %mul3A_224 : vector<64x512xf32> to vector<64x512xbf16>
    %get3A_226 = arith.constant 0 : index
    %get3A_227 = arith.constant 576 : index
    %get3A_228 = vector.load %arg1[%get3A_226, %get3A_227] : memref<512x768xf8E4M3FN, #tpu.memory_space<vmem>>, vector<512x64xf8E4M3FN>
    %get3A_229 = arith.constant 0 : index
    %get3A_230 = arith.constant 576 : index
    %get3A_231 = vector.load %arg2[%get3A_229, %get3A_230] : memref<2048x768xf8E4M3FN, #tpu.memory_space<vmem>>, vector<2048x64xf8E4M3FN>
    %get3A_232 = arith.constant 0 : index
    %get3A_233 = arith.constant 576 : index
    %get3A_234 = vector.load %arg3[%get3A_232, %get3A_233] : memref<2048x768xbf16, #tpu.memory_space<vmem>>, vector<2048x64xbf16>
    %dot_general3A_235 = arith.constant dense<0.000000e+00> : vector<2048x512xf32>
    %dot_general3A_236 = tpu.matmul %get3A_231, %get3A_228, %dot_general3A_235 {dimension_numbers = #tpu.dot_dimension_numbers<[1], [1], [0], [0], [0, 0, 1, 0], [], []>, transpose_lhs_hint = false} : vector<2048x64xf8E4M3FN>, vector<512x64xf8E4M3FN>, vector<2048x512xf32> -> vector<2048x512xf32>
    %add3A_237 = arith.addf %dot_general3A_236, %select_n3A : vector<2048x512xf32>
    %exp23A_238 = math.exp2 %add3A_237 : vector<2048x512xf32>
    %reduce_sum3A_239 = arith.constant dense<0.000000e+00> : vector<512xf32>
    %reduce_sum3A_240 = vector.multi_reduction <add>, %exp23A_238, %reduce_sum3A_239 [0] : vector<2048x512xf32> to vector<512xf32>
    %broadcast_in_dim3A_241 = vector.shape_cast %reduce_sum3A_240 : vector<512xf32> to vector<1x512xf32>
    %convert_element_type3A_242 = arith.truncf %exp23A_238 : vector<2048x512xf32> to vector<2048x512xbf16>
    %dot_general3A_243 = arith.constant dense<0.000000e+00> : vector<64x512xf32>
    %dot_general3A_244 = tpu.matmul %get3A_234, %convert_element_type3A_242, %dot_general3A_243 {dimension_numbers = #tpu.dot_dimension_numbers<[0], [0], [1], [1], [0, 1, 1, 1], [], []>, transpose_lhs_hint = false} : vector<2048x64xbf16>, vector<2048x512xbf16>, vector<64x512xf32> -> vector<64x512xf32>
    %div3A_245 = arith.constant 1.000000e+00 : f32
    %div3A_246 = vector.broadcast %div3A_245 : f32 to vector<1x512xf32>
    %div3A_247 = arith.divf %div3A_246, %broadcast_in_dim3A_241 : vector<1x512xf32>
    %mul3A_248 = vector.broadcast %div3A_247 : vector<1x512xf32> to vector<64x512xf32>
    %mul3A_249 = arith.mulf %dot_general3A_244, %mul3A_248 : vector<64x512xf32>
    %convert_element_type3A_250 = arith.truncf %mul3A_249 : vector<64x512xf32> to vector<64x512xbf16>
    %get3A_251 = arith.constant 0 : index
    %get3A_252 = arith.constant 640 : index
    %get3A_253 = vector.load %arg1[%get3A_251, %get3A_252] : memref<512x768xf8E4M3FN, #tpu.memory_space<vmem>>, vector<512x64xf8E4M3FN>
    %get3A_254 = arith.constant 0 : index
    %get3A_255 = arith.constant 640 : index
    %get3A_256 = vector.load %arg2[%get3A_254, %get3A_255] : memref<2048x768xf8E4M3FN, #tpu.memory_space<vmem>>, vector<2048x64xf8E4M3FN>
    %get3A_257 = arith.constant 0 : index
    %get3A_258 = arith.constant 640 : index
    %get3A_259 = vector.load %arg3[%get3A_257, %get3A_258] : memref<2048x768xbf16, #tpu.memory_space<vmem>>, vector<2048x64xbf16>
    %dot_general3A_260 = arith.constant dense<0.000000e+00> : vector<2048x512xf32>
    %dot_general3A_261 = tpu.matmul %get3A_256, %get3A_253, %dot_general3A_260 {dimension_numbers = #tpu.dot_dimension_numbers<[1], [1], [0], [0], [0, 0, 1, 0], [], []>, transpose_lhs_hint = false} : vector<2048x64xf8E4M3FN>, vector<512x64xf8E4M3FN>, vector<2048x512xf32> -> vector<2048x512xf32>
    %add3A_262 = arith.addf %dot_general3A_261, %select_n3A : vector<2048x512xf32>
    %exp23A_263 = math.exp2 %add3A_262 : vector<2048x512xf32>
    %reduce_sum3A_264 = arith.constant dense<0.000000e+00> : vector<512xf32>
    %reduce_sum3A_265 = vector.multi_reduction <add>, %exp23A_263, %reduce_sum3A_264 [0] : vector<2048x512xf32> to vector<512xf32>
    %broadcast_in_dim3A_266 = vector.shape_cast %reduce_sum3A_265 : vector<512xf32> to vector<1x512xf32>
    %convert_element_type3A_267 = arith.truncf %exp23A_263 : vector<2048x512xf32> to vector<2048x512xbf16>
    %dot_general3A_268 = arith.constant dense<0.000000e+00> : vector<64x512xf32>
    %dot_general3A_269 = tpu.matmul %get3A_259, %convert_element_type3A_267, %dot_general3A_268 {dimension_numbers = #tpu.dot_dimension_numbers<[0], [0], [1], [1], [0, 1, 1, 1], [], []>, transpose_lhs_hint = false} : vector<2048x64xbf16>, vector<2048x512xbf16>, vector<64x512xf32> -> vector<64x512xf32>
    %div3A_270 = arith.constant 1.000000e+00 : f32
    %div3A_271 = vector.broadcast %div3A_270 : f32 to vector<1x512xf32>
    %div3A_272 = arith.divf %div3A_271, %broadcast_in_dim3A_266 : vector<1x512xf32>
    %mul3A_273 = vector.broadcast %div3A_272 : vector<1x512xf32> to vector<64x512xf32>
    %mul3A_274 = arith.mulf %dot_general3A_269, %mul3A_273 : vector<64x512xf32>
    %convert_element_type3A_275 = arith.truncf %mul3A_274 : vector<64x512xf32> to vector<64x512xbf16>
    %get3A_276 = arith.constant 0 : index
    %get3A_277 = arith.constant 704 : index
    %get3A_278 = vector.load %arg1[%get3A_276, %get3A_277] : memref<512x768xf8E4M3FN, #tpu.memory_space<vmem>>, vector<512x64xf8E4M3FN>
    %get3A_279 = arith.constant 0 : index
    %get3A_280 = arith.constant 704 : index
    %get3A_281 = vector.load %arg2[%get3A_279, %get3A_280] : memref<2048x768xf8E4M3FN, #tpu.memory_space<vmem>>, vector<2048x64xf8E4M3FN>
    %get3A_282 = arith.constant 0 : index
    %get3A_283 = arith.constant 704 : index
    %get3A_284 = vector.load %arg3[%get3A_282, %get3A_283] : memref<2048x768xbf16, #tpu.memory_space<vmem>>, vector<2048x64xbf16>
    %dot_general3A_285 = arith.constant dense<0.000000e+00> : vector<2048x512xf32>
    %dot_general3A_286 = tpu.matmul %get3A_281, %get3A_278, %dot_general3A_285 {dimension_numbers = #tpu.dot_dimension_numbers<[1], [1], [0], [0], [0, 0, 1, 0], [], []>, transpose_lhs_hint = false} : vector<2048x64xf8E4M3FN>, vector<512x64xf8E4M3FN>, vector<2048x512xf32> -> vector<2048x512xf32>
    %add3A_287 = arith.addf %dot_general3A_286, %select_n3A : vector<2048x512xf32>
    %exp23A_288 = math.exp2 %add3A_287 : vector<2048x512xf32>
    %reduce_sum3A_289 = arith.constant dense<0.000000e+00> : vector<512xf32>
    %reduce_sum3A_290 = vector.multi_reduction <add>, %exp23A_288, %reduce_sum3A_289 [0] : vector<2048x512xf32> to vector<512xf32>
    %broadcast_in_dim3A_291 = vector.shape_cast %reduce_sum3A_290 : vector<512xf32> to vector<1x512xf32>
    %convert_element_type3A_292 = arith.truncf %exp23A_288 : vector<2048x512xf32> to vector<2048x512xbf16>
    %dot_general3A_293 = arith.constant dense<0.000000e+00> : vector<64x512xf32>
    %dot_general3A_294 = tpu.matmul %get3A_284, %convert_element_type3A_292, %dot_general3A_293 {dimension_numbers = #tpu.dot_dimension_numbers<[0], [0], [1], [1], [0, 1, 1, 1], [], []>, transpose_lhs_hint = false} : vector<2048x64xbf16>, vector<2048x512xbf16>, vector<64x512xf32> -> vector<64x512xf32>
    %div3A_295 = arith.constant 1.000000e+00 : f32
    %div3A_296 = vector.broadcast %div3A_295 : f32 to vector<1x512xf32>
    %div3A_297 = arith.divf %div3A_296, %broadcast_in_dim3A_291 : vector<1x512xf32>
    %mul3A_298 = vector.broadcast %div3A_297 : vector<1x512xf32> to vector<64x512xf32>
    %mul3A_299 = arith.mulf %dot_general3A_294, %mul3A_298 : vector<64x512xf32>
    %convert_element_type3A_300 = arith.truncf %mul3A_299 : vector<64x512xf32> to vector<64x512xbf16>
    %concatenate3A = tpu.concatenate %convert_element_type3A_25, %convert_element_type3A_50, %convert_element_type3A_75, %convert_element_type3A_100, %convert_element_type3A_125, %convert_element_type3A_150, %convert_element_type3A_175, %convert_element_type3A_200, %convert_element_type3A_225, %convert_element_type3A_250, %convert_element_type3A_275, %convert_element_type3A_300 in 0 : vector<64x512xbf16>, vector<64x512xbf16>, vector<64x512xbf16>, vector<64x512xbf16>, vector<64x512xbf16>, vector<64x512xbf16>, vector<64x512xbf16>, vector<64x512xbf16>, vector<64x512xbf16>, vector<64x512xbf16>, vector<64x512xbf16>, vector<64x512xbf16> -> vector<768x512xbf16>
    %transpose3A = tpu.transpose %concatenate3A, [1, 0] : vector<768x512xbf16> -> vector<512x768xbf16>
    %get3A_301 = arith.constant 0 : index
    %get3A_302 = arith.constant 0 : index
    %get3A_303 = vector.load %arg6[%get3A_301, %get3A_302] : memref<512x768xf32, #tpu.memory_space<vmem>>, vector<512x768xf32>
    %get3A_304 = arith.constant 0 : index
    %get3A_305 = arith.constant 0 : index
    %get3A_306 = vector.load %arg7[%get3A_304, %get3A_305] : memref<768x768xbf16, #tpu.memory_space<vmem>>, vector<768x768xbf16>
    %dot_general3A_307 = arith.constant dense<0.000000e+00> : vector<512x768xf32>
    %dot_general3A_308 = tpu.matmul %transpose3A, %get3A_306, %dot_general3A_307 {dimension_numbers = #tpu.dot_dimension_numbers<[1], [0], [0], [1], [0, 0, 1, 1], [], []>, transpose_lhs_hint = false} : vector<512x768xbf16>, vector<768x768xbf16>, vector<512x768xf32> -> vector<512x768xf32>
    %add3A_309 = arith.addf %get3A_303, %dot_general3A_308 : vector<512x768xf32>
    %get3A_310 = arith.constant 0 : index
    %get3A_311 = arith.constant 0 : index
    %get3A_312 = vector.load %arg8[%get3A_310, %get3A_311] : memref<1x768xf32, #tpu.memory_space<vmem>>, vector<1x768xf32>
    %add3A_313 = vector.broadcast %get3A_312 : vector<1x768xf32> to vector<512x768xf32>
    %add3A_314 = arith.addf %add3A_309, %add3A_313 : vector<512x768xf32>
    %reduce_sum3A_315 = arith.constant dense<0.000000e+00> : vector<512xf32>
    %reduce_sum3A_316 = vector.multi_reduction <add>, %add3A_314, %reduce_sum3A_315 [1] : vector<512x768xf32> to vector<512xf32>
    %broadcast_in_dim3A_317 = vector.shape_cast %reduce_sum3A_316 : vector<512xf32> to vector<512x1xf32>
    %div3A_318 = arith.constant 7.680000e+02 : f32
    %div3A_319 = vector.broadcast %div3A_318 : f32 to vector<512x1xf32>
    %div3A_320 = arith.divf %broadcast_in_dim3A_317, %div3A_319 : vector<512x1xf32>
    %sub3A = vector.broadcast %div3A_320 : vector<512x1xf32> to vector<512x768xf32>
    %sub3A_321 = arith.subf %add3A_314, %sub3A : vector<512x768xf32>
    %mul3A_322 = arith.mulf %sub3A_321, %sub3A_321 : vector<512x768xf32>
    %reduce_sum3A_323 = arith.constant dense<0.000000e+00> : vector<512xf32>
    %reduce_sum3A_324 = vector.multi_reduction <add>, %mul3A_322, %reduce_sum3A_323 [1] : vector<512x768xf32> to vector<512xf32>
    %broadcast_in_dim3A_325 = vector.shape_cast %reduce_sum3A_324 : vector<512xf32> to vector<512x1xf32>
    %div3A_326 = arith.constant 7.680000e+02 : f32
    %div3A_327 = vector.broadcast %div3A_326 : f32 to vector<512x1xf32>
    %div3A_328 = arith.divf %broadcast_in_dim3A_325, %div3A_327 : vector<512x1xf32>
    %add3A_329 = arith.constant 9.99999974E-6 : f32
    %add3A_330 = vector.broadcast %add3A_329 : f32 to vector<512x1xf32>
    %add3A_331 = arith.addf %div3A_328, %add3A_330 : vector<512x1xf32>
    %rsqrt3A = math.rsqrt %add3A_331 : vector<512x1xf32>
    %mul3A_332 = vector.broadcast %rsqrt3A : vector<512x1xf32> to vector<512x768xf32>
    %mul3A_333 = arith.mulf %sub3A_321, %mul3A_332 : vector<512x768xf32>
    %get3A_334 = arith.constant 0 : index
    %get3A_335 = arith.constant 0 : index
    %get3A_336 = vector.load %arg9[%get3A_334, %get3A_335] : memref<1x768xf32, #tpu.memory_space<vmem>>, vector<1x768xf32>
    %mul3A_337 = vector.broadcast %get3A_336 : vector<1x768xf32> to vector<512x768xf32>
    %mul3A_338 = arith.mulf %mul3A_333, %mul3A_337 : vector<512x768xf32>
    %get3A_339 = arith.constant 0 : index
    %get3A_340 = arith.constant 0 : index
    %get3A_341 = vector.load %arg10[%get3A_339, %get3A_340] : memref<1x768xf32, #tpu.memory_space<vmem>>, vector<1x768xf32>
    %add3A_342 = vector.broadcast %get3A_341 : vector<1x768xf32> to vector<512x768xf32>
    %add3A_343 = arith.addf %mul3A_338, %add3A_342 : vector<512x768xf32>
    %convert_element_type3A_344 = arith.truncf %add3A_343 : vector<512x768xf32> to vector<512x768xbf16>
    %get3A_345 = arith.constant 0 : index
    %get3A_346 = arith.constant 0 : index
    %get3A_347 = vector.load %arg11[%get3A_345, %get3A_346] : memref<768x3072xbf16, #tpu.memory_space<vmem>>, vector<768x3072xbf16>
    %dot_general3A_348 = arith.constant dense<0.000000e+00> : vector<512x3072xf32>
    %dot_general3A_349 = tpu.matmul %convert_element_type3A_344, %get3A_347, %dot_general3A_348 {dimension_numbers = #tpu.dot_dimension_numbers<[1], [0], [0], [1], [0, 0, 1, 1], [], []>, transpose_lhs_hint = false} : vector<512x768xbf16>, vector<768x3072xbf16>, vector<512x3072xf32> -> vector<512x3072xf32>
    %get3A_350 = arith.constant 0 : index
    %get3A_351 = arith.constant 0 : index
    %get3A_352 = vector.load %arg12[%get3A_350, %get3A_351] : memref<1x3072xf32, #tpu.memory_space<vmem>>, vector<1x3072xf32>
    %add3A_353 = vector.broadcast %get3A_352 : vector<1x3072xf32> to vector<512x3072xf32>
    %add3A_354 = arith.addf %dot_general3A_349, %add3A_353 : vector<512x3072xf32>
    %mul3A_355 = arith.constant 5.000000e-01 : f32
    %mul3A_356 = vector.broadcast %mul3A_355 : f32 to vector<512x3072xf32>
    %mul3A_357 = arith.mulf %mul3A_356, %add3A_354 : vector<512x3072xf32>
    %mul3A_358 = arith.constant 0.707106769 : f32
    %mul3A_359 = vector.broadcast %mul3A_358 : f32 to vector<512x3072xf32>
    %mul3A_360 = arith.mulf %add3A_354, %mul3A_359 : vector<512x3072xf32>
    %erf3A = math.erf %mul3A_360 : vector<512x3072xf32>
    %add3A_361 = arith.constant 1.000000e+00 : f32
    %add3A_362 = vector.broadcast %add3A_361 : f32 to vector<512x3072xf32>
    %add3A_363 = arith.addf %add3A_362, %erf3A : vector<512x3072xf32>
    %mul3A_364 = arith.mulf %mul3A_357, %add3A_363 : vector<512x3072xf32>
    %convert_element_type3A_365 = arith.truncf %mul3A_364 : vector<512x3072xf32> to vector<512x3072xbf16>
    %get3A_366 = arith.constant 0 : index
    %get3A_367 = arith.constant 0 : index
    %get3A_368 = vector.load %arg13[%get3A_366, %get3A_367] : memref<3072x768xbf16, #tpu.memory_space<vmem>>, vector<3072x768xbf16>
    %dot_general3A_369 = arith.constant dense<0.000000e+00> : vector<512x768xf32>
    %dot_general3A_370 = tpu.matmul %convert_element_type3A_365, %get3A_368, %dot_general3A_369 {dimension_numbers = #tpu.dot_dimension_numbers<[1], [0], [0], [1], [0, 0, 1, 1], [], []>, transpose_lhs_hint = false} : vector<512x3072xbf16>, vector<3072x768xbf16>, vector<512x768xf32> -> vector<512x768xf32>
    %add3A_371 = arith.addf %add3A_314, %dot_general3A_370 : vector<512x768xf32>
    %get3A_372 = arith.constant 0 : index
    %get3A_373 = arith.constant 0 : index
    %get3A_374 = vector.load %arg14[%get3A_372, %get3A_373] : memref<1x768xf32, #tpu.memory_space<vmem>>, vector<1x768xf32>
    %add3A_375 = vector.broadcast %get3A_374 : vector<1x768xf32> to vector<512x768xf32>
    %add3A_376 = arith.addf %add3A_371, %add3A_375 : vector<512x768xf32>
    %swap3A = arith.constant 0 : index
    %swap3A_377 = arith.constant 0 : index
    %swap3A_378 = vector.load %arg15[%swap3A, %swap3A_377] : memref<512x768xf32, #tpu.memory_space<vmem>>, vector<512x768xf32>
    tpu.vector_store %arg15[%swap3A, %swap3A_377], %add3A_376 {strides = array<i32>} : memref<512x768xf32, #tpu.memory_space<vmem>>, vector<512x768xf32>,
    return
  }
  func.func @transform_0(%arg0: i32) -> (i32, i32) {
    %c0_i32 = arith.constant 0 : i32
    %c0_i32_0 = arith.constant 0 : i32
    return %arg0, %c0_i32 : i32, i32
  }
  func.func @transform_1(%arg0: i32) -> (i32, i32) {
    %c0_i32 = arith.constant 0 : i32
    %c0_i32_0 = arith.constant 0 : i32
    %c0_i32_1 = arith.constant 0 : i32
    return %c0_i32, %c0_i32_0 : i32, i32
  }
  func.func @transform_2(%arg0: i32) -> (i32, i32) {
    %c0_i32 = arith.constant 0 : i32
    %c0_i32_0 = arith.constant 0 : i32
    %c0_i32_1 = arith.constant 0 : i32
    return %c0_i32, %c0_i32_0 : i32, i32
  }
  func.func @transform_3(%arg0: i32) -> (i32, i32) {
    %c0_i32 = arith.constant 0 : i32
    %c0_i32_0 = arith.constant 0 : i32
    return %c0_i32, %arg0 : i32, i32
  }
  func.func @transform_4(%arg0: i32) -> (i32, i32) {
    %c0_i32 = arith.constant 0 : i32
    %c0_i32_0 = arith.constant 0 : i32
    return %c0_i32, %arg0 : i32, i32
  }
  func.func @transform_5(%arg0: i32) -> (i32, i32) {
    %c0_i32 = arith.constant 0 : i32
    %c0_i32_0 = arith.constant 0 : i32
    return %arg0, %c0_i32 : i32, i32
  }
  func.func @transform_6(%arg0: i32) -> (i32, i32) {
    %c0_i32 = arith.constant 0 : i32
    %c0_i32_0 = arith.constant 0 : i32
    %c0_i32_1 = arith.constant 0 : i32
    return %c0_i32, %c0_i32_0 : i32, i32
  }
  func.func @transform_7(%arg0: i32) -> (i32, i32) {
    %c0_i32 = arith.constant 0 : i32
    %c0_i32_0 = arith.constant 0 : i32
    %c0_i32_1 = arith.constant 0 : i32
    return %c0_i32, %c0_i32_0 : i32, i32
  }
  func.func @transform_8(%arg0: i32) -> (i32, i32) {
    %c0_i32 = arith.constant 0 : i32
    %c0_i32_0 = arith.constant 0 : i32
    %c0_i32_1 = arith.constant 0 : i32
    return %c0_i32, %c0_i32_0 : i32, i32
  }
  func.func @transform_9(%arg0: i32) -> (i32, i32) {
    %c0_i32 = arith.constant 0 : i32
    %c0_i32_0 = arith.constant 0 : i32
    %c0_i32_1 = arith.constant 0 : i32
    return %c0_i32, %c0_i32_0 : i32, i32
  }
  func.func @transform_10(%arg0: i32) -> (i32, i32) {
    %c0_i32 = arith.constant 0 : i32
    %c0_i32_0 = arith.constant 0 : i32
    %c0_i32_1 = arith.constant 0 : i32
    return %c0_i32, %c0_i32_0 : i32, i32
  }
  func.func @transform_11(%arg0: i32) -> (i32, i32) {
    %c0_i32 = arith.constant 0 : i32
    %c0_i32_0 = arith.constant 0 : i32
    %c0_i32_1 = arith.constant 0 : i32
    return %c0_i32, %c0_i32_0 : i32, i32
  }
  func.func @transform_12(%arg0: i32) -> (i32, i32) {
    %c0_i32 = arith.constant 0 : i32
    %c0_i32_0 = arith.constant 0 : i32
    %c0_i32_1 = arith.constant 0 : i32
    return %c0_i32, %c0_i32_0 : i32, i32
  }
  func.func @transform_13(%arg0: i32) -> (i32, i32) {
    %c0_i32 = arith.constant 0 : i32
    %c0_i32_0 = arith.constant 0 : i32
    %c0_i32_1 = arith.constant 0 : i32
    return %c0_i32, %c0_i32_0 : i32, i32
  }
  func.func @transform_14(%arg0: i32) -> (i32, i32) {
    %c0_i32 = arith.constant 0 : i32
    %c0_i32_0 = arith.constant 0 : i32
    return %arg0, %c0_i32 : i32, i32
  }
}

</mosaic_0001>

<sc_bundles>
// kernel: kernel.6.cloned.1.call-start
scs
__scs_entry_jumppad:
0x0: {  	(pc) =	sbr.rel $0x88, $3  }
0x1: {  	(tag) =	ssettag $0x0;
	lr =	simm.s32 $0x1  }
0x2: {  	[smem:$0x3F8D] =	sst lr;
	_ =	strace $0xD0000000  }
0x3: {  	_ = 	snop  }
0x4: {  	_ = 	snop  }
0x5: {  	_ = 	snop  }
0x6: {  	_ = 	snop  }
0x7: {  	_ = 	snop  }
__scs_overlays_trampoline_lowered:
0x8: {  	[smem:$0x3F9C] =	sst s0  }
0x9: {  	[smem:$0x3F9D] =	sst s1  }
0xa: {  	[smem:$0x3F9E] =	sst s2  }
0xb: {  	[smem:$0x3F9F] =	sst s3  }
0xc: {  	[smem:$0x3FA0] =	sst s4  }
0xd: {  	[smem:$0x3FA1] =	sst s5  }
0xe: {  	[smem:$0x3FA2] =	sst s6  }
0xf: {  	[smem:$0x3FA3] =	sst s7  }
0x10: {  	[smem:$0x3FA4] =	sst s8  }
0x11: {  	[smem:$0x3FA5] =	sst s9;
	s0 =	simm.s32 @!p0 $0x0  }
0x12: {  	s1 =	sld [smem:$0x3F8B];
	s0 =	simm.s32 @p0 $0x1  }
0x13: {  	[smem:$0x3FA6] =	sst s0;
	s0 =	simm.s32 @!p1 $0x0  }
0x14: {  	s2 =	sld [smem:$0x3F8A];
	s0 =	simm.s32 @p1 $0x1  }
0x15: {  	[smem:$0x3FA7] =	sst s0;
	s0 =	simm.s32 @!p2 $0x0  }
0x16: {  	s3 =	sld [smem:$0x3FDB];
	s0 =	simm.s32 @p2 $0x1  }
0x17: {  	s4 =	simm.s32 $0x1BF5;
	[smem:$0x3FA9] =	sst s0  }
0x18: {  	s0 =	sld [smem:$0x3F8C];
	_ =	swait.ge [sflag:s4], $0x0  }
0x19: {  	s7 =	sld [smem:$0x3F8D]  }
0x1a: {  	s8 =	sadd.s32 $0xFFFFE003, lr  }
0x1b: {  	s9 =	sadd.s32 $0xFFFFFEF7, lr;
	s5 =	simm.s32 $0xFFFFFFFF;
	p2 =	slt.u32 s8, $0xFFFFF086  }
0x1c: {  	p1 =	slt.u32 s9, $0xF7A;
	s5 =	simm.s32 @!p2 $0x0  }
0x1d: {  	s5 =	simm.s32 @p1 $0x1;
	p0 =	seq.s32 s7, s2  }
0x1e: {  	s7 =	smul.u32 @!p0 $0xF7A, s2;
	p2 =	seq.s32 @!p0 s5, $0x0  }
0x1f: {  	s9 =	smul.u32 $0xF7A, s1;
	s8 =	simm.s32 @!p0 $0x1BF5;
	p2 =	por !p2, p0  }
0x20: {  	[sflag:s8] =	ssyncset.s32 @!p0 $0xFFFFF086;
	s6 =	sadd.s32 @!p0 s3, s7;
	s7 =	simm.s32 @!p0 $0x108  }
0x21: {  	s3 =	sadd.s32 s3, s9;
	s6 =	sadd.s32 @!p0 $0x88, s6;
	s7 =	simm.s32 @p2 $0x1082  }
0x22: {  	[simem:s7], [sflag:s8] =	dma.local @!p0 [hbm:s6], $0xF7A  }
0x23: {  	s9 =	sor.u32 $0xD0000000, s2;
	s6 =	simm.s32 $0x108;
	_ =	swait.ge @!p0 [sflag:s8], $0x0  }
0x24: {  	s3 =	sadd.s32 $0x88, s3;
	s6 =	simm.s32 @!p1 $0x1082;
	[sflag:s4] =	ssyncset.s32 $0xFFFFF086  }
0x25: {  	[simem:s6], [sflag:s4] =	dma.local [hbm:s3], $0xF7A  }
0x26: {  	[smem:$0x3F8D] =	sst s1;
	(tag) =	ssettag s2;
	_ =	strace s9  }
0x27: {  	s1 =	sld [smem:$0x3F9D]  }
0x28: {  	s2 =	sld [smem:$0x3F9E]  }
0x29: {  	s4 =	sld [smem:$0x3FA0]  }
0x2a: {  	p0 =	seq.s32 s5, $0x0;
	s5 =	sld [smem:$0x3FA1]  }
0x2b: {  	s6 =	sld [smem:$0x3FA2]  }
0x2c: {  	s7 =	sld [smem:$0x3FA3]  }
0x2d: {  	s3 =	simm.s32 $0x108;
	s8 =	sld [smem:$0x3FA4]  }
0x2e: {  	s3 =	simm.s32 @!p0 $0x1082;
	s9 =	sld [smem:$0x3FA5]  }
0x2f: {  	lr =	sadd.s32 s0, s3;
	s0 =	sld [smem:$0x3F9C]  }
0x30: {  	s3 =	sld [smem:$0x3F9F]  }
0x31: {  	[smem:$0x3FA8] =	sst s10  }
0x32: {  	s10 =	sld [smem:$0x3FA6];
	_ =	sdelay $0x3  }
0x33: {  	p0 =	seq.s32 s10, $0x1;
	s10 =	sld [smem:$0x3FA8];
	_ =	sdelay $0x3  }
0x34: {  	[smem:$0x3FA8] =	sst s10  }
0x35: {  	s10 =	sld [smem:$0x3FA7];
	_ =	sdelay $0x3  }
0x36: {  	p1 =	seq.s32 s10, $0x1;
	s10 =	sld [smem:$0x3FA8];
	_ =	sdelay $0x3  }
0x37: {  	[smem:$0x3FA8] =	sst s10  }
0x38: {  	s10 =	sld [smem:$0x3FA9]  }
0x39: {  	_ = 	snop;
	(pc) =	sbr.ind lr, $3  }
0x3a: {  	_ = 	snop  }
0x3b: {  	_ = 	snop  }
0x3c: {  	p2 =	seq.s32 s10, $0x1;
	s10 =	sld [smem:$0x3FA8]  }
0x3d: {  	_ =	shalt  }
0x3e: {  	_ =	shalt  }
0x3f: {  	_ =	shalt  }
0x40: {  	_ =	shalt  }
0x41: {  	_ =	shalt  }
0x42: {  	_ =	shalt  }
0x43: {  	_ =	shalt  }
0x44: {  	_ =	shalt  }
0x45: {  	_ =	shalt  }
0x46: {  	_ =	shalt  }
0x47: {  	_ =	shalt  }
0x48: {  	_ =	shalt  }
0x49: {  	_ =	shalt  }
0x4a: {  	_ =	shalt  }
0x4b: {  	_ =	shalt  }
0x4c: {  	_ =	shalt  }
0x4d: {  	_ =	shalt  }
0x4e: {  	_ =	shalt  }
0x4f: {  	_ =	shalt  }
0x50: {  	_ =	shalt  }
0x51: {  	_ =	shalt  }
0x52: {  	_ =	shalt  }
0x53: {  	_ =	shalt  }
0x54: {  	_ =	shalt  }
0x55: {  	_ =	shalt  }
0x56: {  	_ =	shalt  }
0x57: {  	_ =	shalt  }
0x58: {  	_ =	shalt  }
0x59: {  	_ =	shalt  }
0x5a: {  	_ =	shalt  }
0x5b: {  	_ =	shalt  }
0x5c: {  	_ =	shalt  }
0x5d: {  	_ =	shalt  }
0x5e: {  	_ =	shalt  }
0x5f: {  	_ =	shalt  }
0x60: {  	_ =	shalt  }
0x61: {  	_ =	shalt  }
0x62: {  	_ =	shalt  }
0x63: {  	_ =	shalt  }
0x64: {  	_ =	shalt  }
0x65: {  	_ =	shalt  }
0x66: {  	_ =	shalt  }
0x67: {  	_ =	shalt  }
0x68: {  	_ =	shalt  }
0x69: {  	_ =	shalt  }
0x6a: {  	_ =	shalt  }
0x6b: {  	_ =	shalt  }
0x6c: {  	_ =	shalt  }
0x6d: {  	_ =	shalt  }
0x6e: {  	_ =	shalt  }
0x6f: {  	_ =	shalt  }
0x70: {  	_ =	shalt  }
0x71: {  	_ =	shalt  }
0x72: {  	_ =	shalt  }
0x73: {  	_ =	shalt  }
0x74: {  	_ =	shalt  }
0x75: {  	_ =	shalt  }
0x76: {  	_ =	shalt  }
0x77: {  	_ =	shalt  }
0x78: {  	_ =	shalt  }
0x79: {  	_ =	shalt  }
0x7a: {  	_ =	shalt  }
0x7b: {  	_ =	shalt  }
0x7c: {  	_ =	shalt  }
0x7d: {  	_ =	shalt  }
0x7e: {  	_ =	shalt  }
0x7f: {  	_ =	shalt  }
0x80: {  	_ =	shalt  }
0x81: {  	_ =	shalt  }
0x82: {  	_ =	shalt  }
0x83: {  	_ =	shalt  }
0x84: {  	_ =	shalt  }
0x85: {  	_ =	shalt  }
0x86: {  	_ =	shalt  }
0x87: {  	_ =	shalt  }
.Lfunc_end0:
.L_simem_size_0:
called_computation_lowered:
.L_overlay_start_0:
0x88: {  	s2 =	sld [smem:$0x3FD9]  }
0x89: {  	s3 =	sld [smem:$0x3FFE];
	_ =	sdelay $0x1  }
0x8a: {  	s1 =	srdreg.scid  }
0x8b: {  	s0 =	sand.u32 $0x1, s1  }
0x8c: {  	s16 =	sshll.u32 s0, $0xA;
	s2 =	sadd.s32 s3, s2  }
0x8d: {  	s2 =	sadd.s32 s2, s16  }
0x8e: {  	[smem:$0x3FB4] =	sst s2  }
0x8f: {  	_ = 	snop  }
0x90: {  	(tm) =	ssettm $0x1  }
0x91: {  	s17 =	sld [smem:$0x3FFB];
	_ =	sdelay $0x3  }
0x92: {  	_ =	strace s17  }
0x93: {  	s2 =	sld [smem:$0x3FFC];
	_ =	sdelay $0x3  }
0x94: {  	_ =	strace s2  }
0x95: {  	s2 =	sld [smem:$0x3FFD];
	_ =	sdelay $0x3  }
0x96: {  	_ =	strace s2  }
0x97: {  	_ =	strace $0x8FFFFFFF  }
0x98: {  	s18 =	sld [smem:$0x3FDB];
	_ =	sdelay $0x1  }
0x99: {  	s19 =	simm.s32 $_scs_section_size  }
0x9a: {  	s4 =	simm.s32 $_size__tile_overlayer_lowered;
	s5 =	simm.s32 $_tile_overlayer_lowered  }
0x9b: {  	s22 =	simm.s32 $0x1BFF;
	s21 =	sshll.u32 s5, $0x1;
	s2 =	sadd.s32 s19, s18  }
0x9c: {  	s6 =	simm.s32 $0x0;
	s20 =	sshll.u32 s4, $0x1;
	s4 =	sadd.s32 s21, s2  }
0x9d: {  	[timem:s6], [sflag:s22] =	dma.local [hbm:s4], s20  }
0x9e: {  	_ =	swait.ge [sflag:s22], s20  }
0x9f: {  	s3 =	ssub.s32 $0x0, s20;
	[sflag:s22] =	ssyncset.done $0x0  }
0xa0: {  	[sflag:s22] =	ssyncadd.s32 s3;
	_ =	sdelay $0x1  }
0xa1: {  	s23 =	simm.s32 $0x1B8B  }
0xa2: {  	_ =	swait.ge [sflag:s23], $0x1  }
0xa3: {  	[sflag:s23] =	ssyncset.done $0x0  }
0xa4: {  	s25 =	simm.s32 $0x1B8E;
	s24 =	sld [smem:$0x3FFE];
	[sflag:s23] =	ssyncadd.s32 $0xFFFFFFFF  }
0xa5: {  	s26 =	simm.s32 $execute0_lowered;
	[smem:$0x3FD2] =	sst s25  }
0xa6: {  	s4 =	sshll.u32 s26, $0x1;
	_ =	strace $0x80000046;
	[dreg:$0x1] =	wrdreg $0xFFFFFFFF  }
0xa7: {  	s28 =	simm.s32 $_size_execute0_lowered;
	s2 =	sadd.s32 s2, s4;
	[dreg:$0x0] =	wrdreg $0x0  }
0xa8: {  	s4 =	sshll.u32 s28, $0x1;
	[dreg:$0x2] =	wrdreg s2  }
0xa9: {  	[dreg:$0x3] =	wrdreg s4  }
0xaa: {  	[dreg:$0x4] =	wrdreg $0xC0  }
0xab: {  	_ =	task [dreg:s6], $0x5FFFF  }
0xac: {  	[dreg:$0x1] =	wrdreg $0xFFFFFFFF  }
0xad: {  	[dreg:$0x0] =	wrdreg $0x60  }
0xae: {  	[dreg:$0x2] =	wrdreg s24  }
0xaf: {  	[dreg:$0x3] =	wrdreg $0x9  }
0xb0: {  	_ =	task.clear_ibuf [dreg:s6], $0x4FFFF;
	_ =	strace $0x90000046  }
0xb1: {  	s29 =	simm.s32 $0x9;
	_ =	strace $0x8000004F  }
0xb2: {  	_ =	swait.ge [sflag:s29], $0x1  }
0xb3: {  	[sflag:s29] =	ssyncadd.s32 $0xFFFFFFFF  }
0xb4: {  	_ =	strace $0x9000004F  }
0xb5: {  	_ =	sfence  }
0xb6: {  	s30 =	sld [smem:$0x0];
	_ =	sdelay $0x2  }
0xb7: {  	s31 =	sshll.u32 s1, $0xD;
	s1 =	sshrl.u32 s1, $0x2  }
0xb8: {  	s3 =	sand.u32 $0x4000, s31;
	s1 =	sadd.s32 s1, s30  }
0xb9: {  	s0 =	sor.u32 s3, s0;
	s1 =	sshll.u32 s1, $0x11  }
0xba: {  	s0 =	sor.u32 s1, s0  }
0xbb: {  	s0 =	sadd.s32 $0x8F2B, s0  }
0xbc: {  	[sflag:s0] =	ssyncadd.remote.s32 $0x1  }
0xbd: {  	_ =	sfence.sel $0xFFFF  }
0xbe: {  	[dreg:$0x0] =	wrdreg $0xFFFFFFFF;
	(pc) =	sbr.abs _section_cstart, $3  }
0xbf: {  	[dreg:$0x1] =	wrdreg $0xFFFFFFFF  }
0xc0: {  	_ =	task.clear_ibuf [dreg:s6], $0x2FFFF;
	_ =	strace $0x9FFFFFFF  }
0xc1: {  	(tm) =	ssettm $0x7FFFFFFF  }
tec
execute0_lowered:
.L_overlay_start_1:
0x0: {  	(tag) =	ssettag $0x1  }
0x1: {  	s4 =	rddreg [dreg:$0x0]  }
0x2: {  	s0 =	rddreg [dreg:$0x1];
	s1 =	simm.s32 $0x0  }
0x3: {  	s2 =	srdreg.scid;
	s9 =	simm.s32 $0x0;
	[smem:$0x7FF] =	sst s1  }
0x4: {  	s5 =	sand.u32 $0x1, s2;
	s2 =	stileid.u32;
	s3 =	sadd.s32 $0x3600, s4  }
0x5: {  	v0 =	vlaneseq.u32;
	s4 =	sadd.s32 $0x83600, s4;
	s6 =	sshll.u32 s5, $0x4;
	s5 =	ssub.s32 $0x2, s5  }
0x6: {  	v0 =	vmul.u32 $0xFFFFFFFF, v0;
	_ =	strace $0x80000047;
	s6 =	sor.u32 s2, s6;
	s7 =	sshrl.u32 s5, $0x1  }
0x7: {  	s8 =	sshll.u32 s6, $0xE;
	s7 =	ssub.s32 s5, s7;
	s5 =	sshll.u32 s6, $0x3  }
0x8: {  	v0 =	vadd.s32 $0xF, v0;
	s6 =	sadd.s32 s3, s8;
	s7 =	smax.u32 s7, $0x1;
	s8 =	simm.s32 $0x4  }
.LBB2_1:
0x9: {  	_ =	strace $0x80000048;
	s10 =	simm.s32 $0x0  }
0xa: {  	s11 =	simm.s32 $0x0;
	s12 =	simm.s32 $0x0;
	s13 =	simm.s32 $0x0  }
0xb: {  	[tilespmem:s1], [sflag:$0x1] =	stream.linear.gather [hbm4b:s6+s1], $0x4000, $0x200038;
	[tilespmem:$0x8800] =	vst v63  }
0xc: {  	s14 =	simm.s32 $0x1;
	s15 =	simm.s32 $0x0;
	_ =	strace $0x90000048  }
.LBB2_2:
0xd: {  	s17 =	smov.u32 s10;
	s10 =	sadd.s32 $0x1, s10  }
0xe: {  	p0 =	seq.s32 s10, $0x8  }
0xf: {  	s10 =	simm.s32 @p0 $0x0  }
0x10: {  	p6 =	sne.s32 s15, $0x7;
	p1 =	sne.s32 s17, s10  }
0x11: {  	p0 =	por !p6, !p1  }
0x12: {  	p0 =	por !p0, !p0  }
0x13: {  	s16 =	sadd.s32 @p0 s5, s10  }
0x14: {  	_ =	strace @p0 $0x80000049;
	s16 =	sshll.u32 @p0 s16, $0xB  }
0x15: {  	s18 =	sand.u32 @p0 $0x1, s14;
	s20 =	simm.s32 @p0 $0x0;
	s16 =	sand.u32 @p0 $0x1FFFF800, s16  }
0x16: {  	s19 =	sshll.u32 @p0 s18, $0xE;
	s18 =	sadd.s32 @p0 $0x1, s18;
	s16 =	sadd.s32 @p0 s3, s16  }
0x17: {  	[tilespmem:s19], [sflag:s18] =	stream.linear.gather @p0 [hbm4b:s16+s20], $0x4000, $0x200038;
	[tilespmem:$0x8800] =	vst v63  }
0x18: {  	s22 =	sand.u32 $0x1, s13;
	_ =	strace @p0 $0x90000049  }
0x19: {  	s16 =	sadd.s32 $0x1, s22;
	_ =	strace $0x8000004A  }
0x1a: {  	_ =	swait.ge [sflag:s16], $0x4000  }
0x1b: {  	[sflag:s16] =	ssyncset.done $0x0  }
0x1c: {  	[sflag:s16] =	ssyncadd.s32 $0xFFFFC000  }
0x1d: {  	s23 =	sshll.u32 s13, $0xE;
	_ =	strace $0x9000004A  }
0x1e: {  	s16 =	sand.u32 $0x4000, s23;
	_ =	strace $0x8000004B  }
0x1f: {  	v1 =	vld [tilespmem:s16+$0x0]  }
0x20: {  	v2 =	vld [tilespmem:s16+$0x10];
	_ =	sdelay $0x3  }
0x21: {  	(xrf1) =	vsort.ascd.msk.f32 $0xffff, v1, v1  }
0x22: {  	(xrf1) =	vsort.ascd.msk.f32 $0xffff, v2, v2;
	_ =	sdelay $0xc  }
0x23: {  	v1, _, _ =	vpop (xrf1)  }
0x24: {  	v2, _, _ =	vpop (xrf1)  }
0x25: {  	v3 =	vld [tilespmem:s16+$0x80];
	v2 =	vperm.xlane v2, v0  }
0x26: {  	v4 =	vld [tilespmem:s16+$0x90]  }
0x27: {  	v5 =	vmin.f32 v1, v2  }
0x28: {  	v1 =	vmax.f32 v1, v2;
	(xrf1) =	vsort.ascd.msk.f32 $0xffff, v5, v5  }
0x29: {  	(xrf1) =	vsort.ascd.msk.f32 $0xffff, v1, v1  }
0x2a: {  	(xrf1) =	vsort.ascd.msk.f32 $0xffff, v3, v3  }
0x2b: {  	(xrf1) =	vsort.ascd.msk.f32 $0xffff, v4, v4;
	_ =	sdelay $0xa  }
0x2c: {  	v2, _, _ =	vpop (xrf1)  }
0x2d: {  	v5, _, _ =	vpop (xrf1)  }
0x2e: {  	v1, _, _ =	vpop (xrf1)  }
0x2f: {  	v3, _, _ =	vpop (xrf1)  }
0x30: {  	v4 =	vld [tilespmem:s16+$0x100];
	v3 =	vperm.xlane v3, v0  }
0x31: {  	v6 =	vld [tilespmem:s16+$0x110]  }
0x32: {  	v7 =	vmin.f32 v1, v3  }
0x33: {  	v1 =	vmax.f32 v1, v3;
	(xrf1) =	vsort.ascd.msk.f32 $0xffff, v7, v7  }
0x34: {  	(xrf1) =	vsort.ascd.msk.f32 $0xffff, v1, v1  }
0x35: {  	(xrf1) =	vsort.ascd.msk.f32 $0xffff, v4, v4  }
0x36: {  	(xrf1) =	vsort.ascd.msk.f32 $0xffff, v6, v6;
	_ =	sdelay $0xa  }
0x37: {  	v7, _, _ =	vpop (xrf1)  }
0x38: {  	v8, _, _ =	vpop (xrf1)  }
0x39: {  	v1, _, _ =	vpop (xrf1)  }
0x3a: {  	v3, _, _ =	vpop (xrf1)  }
0x3b: {  	v4 =	vld [tilespmem:s16+$0x180];
	v3 =	vperm.xlane v3, v0  }
0x3c: {  	v6 =	vld [tilespmem:s16+$0x190]  }
0x3d: {  	v9 =	vmin.f32 v1, v3  }
0x3e: {  	v1 =	vmax.f32 v1, v3;
	(xrf1) =	vsort.ascd.msk.f32 $0xffff, v9, v9  }
0x3f: {  	(xrf1) =	vsort.ascd.msk.f32 $0xffff, v1, v1  }
0x40: {  	(xrf1) =	vsort.ascd.msk.f32 $0xffff, v4, v4  }
0x41: {  	(xrf1) =	vsort.ascd.msk.f32 $0xffff, v6, v6;
	_ =	sdelay $0xa  }
0x42: {  	v4, _, _ =	vpop (xrf1)  }
0x43: {  	v6, _, _ =	vpop (xrf1)  }
0x44: {  	v1, _, _ =	vpop (xrf1)  }
0x45: {  	v3, _, _ =	vpop (xrf1)  }
0x46: {  	v9 =	vld [tilespmem:s16+$0x200];
	v3 =	vperm.xlane v3, v0  }
0x47: {  	v10 =	vld [tilespmem:s16+$0x210]  }
0x48: {  	v11 =	vmin.f32 v1, v3  }
0x49: {  	v1 =	vmax.f32 v1, v3;
	(xrf1) =	vsort.ascd.msk.f32 $0xffff, v11, v11  }
0x4a: {  	(xrf1) =	vsort.ascd.msk.f32 $0xffff, v1, v1  }
0x4b: {  	(xrf1) =	vsort.ascd.msk.f32 $0xffff, v9, v9  }
0x4c: {  	(xrf1) =	vsort.ascd.msk.f32 $0xffff, v10, v10;
	_ =	sdelay $0xa  }
0x4d: {  	v9, _, _ =	vpop (xrf1)  }
0x4e: {  	v10, _, _ =	vpop (xrf1)  }
0x4f: {  	v1, _, _ =	vpop (xrf1)  }
0x50: {  	v3, _, _ =	vpop (xrf1)  }
0x51: {  	v11 =	vld [tilespmem:s16+$0x280];
	v3 =	vperm.xlane v3, v0  }
0x52: {  	v12 =	vld [tilespmem:s16+$0x290]  }
0x53: {  	v13 =	vmin.f32 v1, v3  }
0x54: {  	v1 =	vmax.f32 v1, v3;
	(xrf1) =	vsort.ascd.msk.f32 $0xffff, v13, v13  }
0x55: {  	(xrf1) =	vsort.ascd.msk.f32 $0xffff, v1, v1  }
0x56: {  	(xrf1) =	vsort.ascd.msk.f32 $0xffff, v11, v11  }
0x57: {  	(xrf1) =	vsort.ascd.msk.f32 $0xffff, v12, v12;
	_ =	sdelay $0xa  }
0x58: {  	v11, _, _ =	vpop (xrf1)  }
0x59: {  	v12, _, _ =	vpop (xrf1)  }
0x5a: {  	v1, _, _ =	vpop (xrf1)  }
0x5b: {  	v3, _, _ =	vpop (xrf1)  }
0x5c: {  	v13 =	vld [tilespmem:s16+$0x300];
	v3 =	vperm.xlane v3, v0  }
0x5d: {  	v14 =	vld [tilespmem:s16+$0x310]  }
0x5e: {  	v15 =	vmin.f32 v1, v3  }
0x5f: {  	v1 =	vmax.f32 v1, v3;
	(xrf1) =	vsort.ascd.msk.f32 $0xffff, v15, v15  }
0x60: {  	(xrf1) =	vsort.ascd.msk.f32 $0xffff, v1, v1  }
0x61: {  	(xrf1) =	vsort.ascd.msk.f32 $0xffff, v13, v13  }
0x62: {  	(xrf1) =	vsort.ascd.msk.f32 $0xffff, v14, v14;
	_ =	sdelay $0xa  }
0x63: {  	v13, _, _ =	vpop (xrf1)  }
0x64: {  	v14, _, _ =	vpop (xrf1)  }
0x65: {  	v1, _, _ =	vpop (xrf1)  }
0x66: {  	v3, _, _ =	vpop (xrf1)  }
0x67: {  	v15 =	vld [tilespmem:s16+$0x380];
	v3 =	vperm.xlane v3, v0  }
0x68: {  	v16 =	vld [tilespmem:s16+$0x390]  }
0x69: {  	v17 =	vmin.f32 v1, v3  }
0x6a: {  	v1 =	vmax.f32 v1, v3;
	(xrf1) =	vsort.ascd.msk.f32 $0xffff, v17, v17  }
0x6b: {  	(xrf1) =	vsort.ascd.msk.f32 $0xffff, v1, v1  }
0x6c: {  	(xrf1) =	vsort.ascd.msk.f32 $0xffff, v15, v15  }
0x6d: {  	(xrf1) =	vsort.ascd.msk.f32 $0xffff, v16, v16;
	_ =	sdelay $0xa  }
0x6e: {  	s24 =	simm.s32 $0x100;
	v3, _, _ =	vpop (xrf1)  }
0x6f: {  	s25 =	simm.s32 $0x20;
	s18 =	sand.u32 $0x3C00, s24;
	v15, _, _ =	vpop (xrf1)  }
0x70: {  	s19 =	sand.u32 $0x70, s25;
	s18 =	sadd.s32 s18, s16;
	v1, _, _ =	vpop (xrf1)  }
0x71: {  	s18 =	sadd.s32 s19, s18;
	v16, _, _ =	vpop (xrf1)  }
0x72: {  	v50 =	vld [tilespmem:s18+$0x280];
	v16 =	vperm.xlane v16, v0  }
0x73: {  	v18 =	vld [tilespmem:s18+$0x300]  }
0x74: {  	v20 =	vld [tilespmem:s18+$0x80];
	v19 =	vmin.f32 v1, v16  }
0x75: {  	v1 =	vmax.f32 v1, v16;
	(xrf1) =	vsort.ascd.msk.f32 $0xffff, v19, v19  }
0x76: {  	(xrf1) =	vsort.ascd.msk.f32 $0xffff, v1, v1  }
0x77: {  	v1 =	vld [tilespmem:s18+$0x180];
	(xrf1) =	vsort.ascd.msk.f32 $0xffff, v50, v50  }
0x78: {  	(xrf1) =	vsort.ascd.msk.f32 $0xffff, v18, v18  }
0x79: {  	(xrf1) =	vsort.ascd.msk.f32 $0xffff, v20, v20  }
0x7a: {  	v51 =	vld [tilespmem:s18+$0x0]  }
0x7b: {  	v52 =	vld [tilespmem:s18+$0x200]  }
0x7c: {  	(xrf1) =	vsort.ascd.msk.f32 $0xffff, v1, v1;
	_ =	sdelay $0x2  }
0x7d: {  	(xrf1) =	vsort.ascd.msk.f32 $0xffff, v51, v51  }
0x7e: {  	s26 =	simm.s32 $0x2;
	v1 =	vmov s16;
	(xrf1) =	vsort.ascd.msk.f32 $0xffff, v52, v52  }
0x7f: {  	s19 =	sand.u32 $0x7, s26  }
0x80: {  	s19 =	sshll.u32 s19, $0x4  }
0x81: {  	s19 =	sadd.s32 $0x100, s19;
	v53, _, _ =	vpop (xrf1)  }
0x82: {  	v55 =	vld [tilespmem:s18+$0x100];
	s19 =	sor.u32 $0x380, s19;
	v54, _, _ =	vpop (xrf1)  }
0x83: {  	v56 =	vld.idx.msk [tilespmem:v1+s19+$0x0 ss:$0x1], $0xffff;
	v57, _, _ =	vpop (xrf1)  }
0x84: {  	v21, _, _ =	vpop (xrf1)  }
0x85: {  	s28 =	simm.s32 $0x180;
	v22, _, _ =	vpop (xrf1)  }
0x86: {  	s29 =	simm.s32 $0x30;
	s18 =	sand.u32 $0x3C00, s28;
	v22 =	vperm.xlane v22, v0  }
0x87: {  	s18 =	sadd.s32 s18, s16;
	(xrf1) =	vsort.ascd.msk.f32 $0xffff, v55, v55;
	s19 =	sand.u32 $0x70, s29  }
0x88: {  	s18 =	sadd.s32 s19, s18;
	(xrf1) =	vsort.ascd.msk.f32 $0xffff, v56, v56;
	v58, _, _ =	vpop (xrf1);
	v8 =	vmin.f32 v8, v22  }
0x89: {  	v59 =	vld [tilespmem:s18+$0x280];
	v18 =	vperm.xlane v58, v0;
	v23 =	vmin.f32 v7, v8;
	v7 =	vmax.f32 v7, v8  }
0x8a: {  	v60 =	vld [tilespmem:s18+$0x300]  }
0x8b: {  	v24 =	vld [tilespmem:s18+$0x80];
	v8 =	vmin.f32 v10, v18;
	v10, _, _ =	vpop (xrf1);
	(xrf1) =	vsort.ascd.msk.f32 $0xffff, v23, v23  }
0x8c: {  	v18 =	vmin.f32 v9, v8;
	(xrf1) =	vsort.ascd.msk.f32 $0xffff, v7, v7;
	v7, _, _ =	vpop (xrf1)  }
0x8d: {  	v61 =	vld [tilespmem:s18+$0x180];
	(xrf1) =	vsort.ascd.msk.f32 $0xffff, v18, v18;
	v7 =	vperm.xlane v7, v0  }
0x8e: {  	(xrf1) =	vsort.ascd.msk.f32 $0xffff, v59, v59  }
0x8f: {  	(xrf1) =	vsort.ascd.msk.f32 $0xffff, v60, v60;
	v7 =	vmin.f32 v12, v7  }
0x90: {  	v12 =	vld [tilespmem:s18+$0x0];
	(xrf1) =	vsort.ascd.msk.f32 $0xffff, v24, v24;
	v62 =	vmin.f32 v11, v7  }
0x91: {  	v63 =	vld [tilespmem:s18+$0x200];
	(xrf1) =	vsort.ascd.msk.f32 $0xffff, v62, v62  }
0x92: {  	v8 =	vmax.f32 v9, v8;
	v9 =	vperm.xlane v10, v0;
	(xrf1) =	vsort.ascd.msk.f32 $0xffff, v61, v61  }
0x93: {  	s30 =	simm.s32 $0x3;
	v10 =	vld [tilespmem:s18+$0x100];
	v7 =	vmax.f32 v11, v7;
	(xrf1) =	vsort.ascd.msk.f32 $0xffff, v8, v8  }
0x94: {  	s31 =	sand.u32 $0x7, s30;
	v5 =	vmin.f32 v5, v9;
	(xrf1) =	vsort.ascd.msk.f32 $0xffff, v7, v7  }
0x95: {  	v9 =	vmin.f32 v2, v5;
	s18 =	sshll.u32 s31, $0x4;
	v7 =	vperm.xlane v57, v0;
	(xrf1) =	vsort.ascd.msk.f32 $0xffff, v12, v12  }
0x96: {  	v2 =	vmax.f32 v2, v5;
	s18 =	sadd.s32 $0x180, s18;
	v11 =	vperm.xlane v21, v0;
	v8, _, _ =	vpop (xrf1);
	(xrf1) =	vsort.ascd.msk.f32 $0xffff, v63, v63  }
0x97: {  	s18 =	sor.u32 $0x380, s18;
	v8 =	vperm.xlane v8, v0;
	v12, _, _ =	vpop (xrf1);
	v7 =	vmin.f32 v14, v7;
	(xrf1) =	vsort.ascd.msk.f32 $0xffff, v9, v9  }
0x98: {  	v14 =	vld.idx.msk [tilespmem:v1+s18+$0x0 ss:$0x1], $0xffff;
	v9 =	vperm.xlane v12, v0;
	(xrf1) =	vsort.ascd.msk.f32 $0xffff, v10, v10;
	v10 =	vmin.f32 v13, v7  }
0x99: {  	v12 =	vmin.f32 v6, v8;
	v8 =	vmax.f32 v13, v7;
	v6, _, _ =	vpop (xrf1);
	(xrf1) =	vsort.ascd.msk.f32 $0xffff, v10, v10  }
0x9a: {  	v13 =	vmin.f32 v54, v9;
	v9 =	vmax.f32 v4, v12;
	v7, _, _ =	vpop (xrf1);
	(xrf1) =	vsort.ascd.msk.f32 $0xffff, v8, v8  }
0x9b: {  	v10 =	vmin.f32 v15, v11;
	v5, _, _ =	vpop (xrf1);
	(xrf1) =	vsort.ascd.msk.f32 $0xffff, v9, v9  }
0x9c: {  	s21 =	simm.s32 $0x40;
	v8 =	vmax.f32 v53, v13;
	v9 =	vmin.f32 v4, v12;
	v4, _, _ =	vpop (xrf1);
	(xrf1) =	vsort.ascd.msk.f32 $0xffff, v2, v2  }
0x9d: {  	s17 =	sadd.s32 s5, s17;
	s19 =	simm.s32 $0x4;
	s18 =	simm.s32 $0x200;
	v11 =	vmax.f32 v3, v10;
	v12 =	vmin.f32 v53, v13;
	v2, _, _ =	vpop (xrf1);
	(xrf1) =	vsort.ascd.msk.f32 $0xffff, v14, v14  }
.LBB2_3:
0x9e: {  	s22 =	sand.u32 $0x7, s19  }
0x9f: {  	s23 =	sand.u32 $0x3C00, s18;
	v13, _, _ =	vpop (xrf1);
	(xrf1) =	vsort.ascd.msk.f32 $0xffff, v12, v12;
	s24 =	smov.u32 s21;
	s20 =	sadd.s32 $0x10, s21  }
0xa0: {  	v3 =	vmin.f32 v3, v10;
	s22 =	sshll.u32 s22, $0x4;
	s24 =	sand.u32 $0x70, s24;
	s23 =	sadd.s32 s23, s16;
	v12 =	vperm.xlane v13, v0;
	v10, _, _ =	vpop (xrf1);
	(xrf1) =	vsort.ascd.msk.f32 $0xffff, v8, v8  }
0xa1: {  	p2 =	sne.s32 s21, $0x7F0;
	s22 =	sadd.s32 s22, s18;
	s23 =	sadd.s32 s24, s23;
	v8, _, _ =	vpop (xrf1);
	(xrf1) =	vsort.ascd.msk.f32 $0xffff, v11, v11  }
0xa2: {  	v11 =	vld [tilespmem:s23+$0x280];
	s21 =	sor.u32 $0x380, s22;
	v7 =	vmin.f32 v7, v12;
	v15 =	vperm.xlane v8, v0;
	(xrf1) =	vsort.ascd.msk.f32 $0xffff, v9, v9;
	v9, _, _ =	vpop (xrf1)  }
0xa3: {  	v12 =	vld [tilespmem:s23+$0x300];
	v13 =	vmin.f32 v6, v7;
	v14, _, _ =	vpop (xrf1);
	(xrf1) =	vsort.ascd.msk.f32 $0xffff, v3, v3  }
0xa4: {  	v18 =	vmax.f32 v6, v7;
	v3 =	vld [tilespmem:s23+$0x80];
	v7 =	vmin.f32 v9, v15;
	v8, _, _ =	vpop (xrf1);
	(xrf1) =	vsort.ascd.msk.f32 $0xffff, v13, v13  }
0xa5: {  	v13 =	vld.idx.msk [tilespmem:v1+s21+$0x0 ss:$0x1], $0xffff;
	v17 =	vmin.f32 v5, v7;
	(xrf1) =	vsort.ascd.msk.f32 $0xffff, v18, v18;
	v6, _, _ =	vpop (xrf1)  }
0xa6: {  	v15 =	vld [tilespmem:s23+$0x180];
	v6 =	vperm.xlane v6, v0;
	(xrf1) =	vsort.ascd.msk.f32 $0xffff, v17, v17;
	v16, _, _ =	vpop (xrf1)  }
0xa7: {  	(xrf1) =	vsort.ascd.msk.f32 $0xffff, v11, v11;
	v9, _, _ =	vpop (xrf1)  }
0xa8: {  	v4 =	vperm.xlane v4, v0;
	(xrf1) =	vsort.ascd.msk.f32 $0xffff, v12, v12;
	v6 =	vmin.f32 v14, v6;
	v11, _, _ =	vpop (xrf1)  }
0xa9: {  	v12 =	vld [tilespmem:s23+$0x0];
	(xrf1) =	vsort.ascd.msk.f32 $0xffff, v3, v3;
	v18 =	vmin.f32 v10, v6;
	v14, _, _ =	vpop (xrf1)  }
0xaa: {  	v17 =	vld [tilespmem:s23+$0x200];
	(xrf1) =	vsort.ascd.msk.f32 $0xffff, v18, v18;
	v3, _, _ =	vpop (xrf1)  }
0xab: {  	v8 =	vperm.xlane v8, v0;
	v19 =	vmax.f32 v5, v7;
	(xrf1) =	vsort.ascd.msk.f32 $0xffff, v15, v15;
	v7, _, _ =	vpop (xrf1)  }
0xac: {  	v6 =	vmax.f32 v10, v6;
	v15 =	vld [tilespmem:s23+$0x100];
	(xrf1) =	vsort.ascd.msk.f32 $0xffff, v19, v19;
	v5, _, _ =	vpop (xrf1)  }
0xad: {  	v2 =	vperm.xlane v2, v0;
	v10 =	vperm.xlane v5, v0;
	(xrf1) =	vsort.ascd.msk.f32 $0xffff, v6, v6;
	v18, _, _ =	vpop (xrf1)  }
0xae: {  	v6 =	vperm.xlane v9, v0;
	(xrf1) =	vsort.ascd.msk.f32 $0xffff, v12, v12;
	v12 =	vmin.f32 v7, v8;
	v7, _, _ =	vpop (xrf1)  }
0xaf: {  	(xrf1) =	vsort.ascd.msk.f32 $0xffff, v17, v17;
	v9 =	vmin.f32 v16, v12;
	v17 =	vmin.f32 v7, v10;
	v5, _, _ =	vpop (xrf1)  }
0xb0: {  	v4 =	vmin.f32 v14, v4;
	v8 =	vmax.f32 v18, v17;
	(xrf1) =	vsort.ascd.msk.f32 $0xffff, v9, v9;
	v7, _, _ =	vpop (xrf1)  }
0xb1: {  	v10 =	vmin.f32 v11, v4;
	v9 =	vmin.f32 v3, v6;
	(xrf1) =	vsort.ascd.msk.f32 $0xffff, v15, v15;
	v3, _, _ =	vpop (xrf1)  }
.Ltmp0:
0xb2: {  	v4 =	vmax.f32 v11, v4;
	v14 =	vmax.f32 v7, v9;
	v6, _, _ =	vpop (xrf1);
	(xrf1) =	vsort.ascd.msk.f32 $0xffff, v10, v10;
	(pc) =	sbr.rel @p2 .LBB2_3-.Ltmp0, $4  }
0xb3: {  	v9 =	vmin.f32 v7, v9;
	v10 =	vmin.f32 v5, v2;
	v7, _, _ =	vpop (xrf1);
	(xrf1) =	vsort.ascd.msk.f32 $0xffff, v4, v4  }
0xb4: {  	v12 =	vmax.f32 v16, v12;
	v11 =	vmax.f32 v3, v10;
	(xrf1) =	vsort.ascd.msk.f32 $0xffff, v14, v14;
	v5, _, _ =	vpop (xrf1)  }
0xb5: {  	v4, _, _ =	vpop (xrf1);
	(xrf1) =	vsort.ascd.msk.f32 $0xffff, v12, v12  }
0xb6: {  	s19 =	sadd.s32 $0x1, s19;
	s18 =	sadd.s32 $0x80, s18;
	s21 =	smov.u32 s20;
	v12 =	vmin.f32 v18, v17;
	v2, _, _ =	vpop (xrf1);
	(xrf1) =	vsort.ascd.msk.f32 $0xffff, v13, v13  }
0xb7: {  	v1, _, _ =	vpop (xrf1)  }
0xb8: {  	(xrf1) =	vsort.ascd.msk.f32 $0xffff, v12, v12;
	v34, _, _ =	vpop (xrf1)  }
0xb9: {  	(xrf1) =	vsort.ascd.msk.f32 $0xffff, v8, v8;
	v35, _, _ =	vpop (xrf1)  }
0xba: {  	(xrf1) =	vsort.ascd.msk.f32 $0xffff, v11, v11;
	v36, _, _ =	vpop (xrf1)  }
0xbb: {  	(xrf1) =	vsort.ascd.msk.f32 $0xffff, v9, v9;
	v37, _, _ =	vpop (xrf1)  }
0xbc: {  	v13, _, _ =	vpop (xrf1)  }
0xbd: {  	v3 =	vmin.f32 v3, v10;
	v1 =	vperm.xlane v1, v0;
	v14, _, _ =	vpop (xrf1)  }
0xbe: {  	(xrf1) =	vsort.ascd.msk.f32 $0xffff, v3, v3;
	v3 =	vperm.xlane v14, v0  }
0xbf: {  	v1 =	vmin.f32 v7, v1;
	v38 =	vperm.xlane v35, v0;
	v39, _, _ =	vpop (xrf1)  }
0xc0: {  	v40 =	vmin.f32 v6, v1;
	v41, _, _ =	vpop (xrf1)  }
0xc1: {  	v1 =	vmax.f32 v6, v1;
	v42 =	vmin.f32 v36, v38;
	(xrf1) =	vsort.ascd.msk.f32 $0xffff, v40, v40;
	v43, _, _ =	vpop (xrf1)  }
0xc2: {  	v9 =	vmin.f32 v5, v42;
	(xrf1) =	vsort.ascd.msk.f32 $0xffff, v1, v1;
	v1 =	vmin.f32 v37, v3;
	v3, _, _ =	vpop (xrf1)  }
0xc3: {  	(xrf1) =	vsort.ascd.msk.f32 $0xffff, v9, v9;
	v44 =	vmin.f32 v34, v1;
	v1 =	vmax.f32 v34, v1;
	v45, _, _ =	vpop (xrf1)  }
0xc4: {  	v46 =	vperm.xlane v13, v0;
	v47 =	vmax.f32 v5, v42;
	(xrf1) =	vsort.ascd.msk.f32 $0xffff, v44, v44;
	v48, _, _ =	vpop (xrf1)  }
0xc5: {  	v4 =	vperm.xlane v4, v0;
	(xrf1) =	vsort.ascd.msk.f32 $0xffff, v47, v47;
	v49, _, _ =	vpop (xrf1)  }
0xc6: {  	(xrf1) =	vsort.ascd.msk.f32 $0xffff, v1, v1;
	v6 =	vmin.f32 v48, v46;
	v1, _, _ =	vpop (xrf1)  }
0xc7: {  	v50 =	vperm.xlane v41, v0;
	v3 =	vmin.f32 v3, v4;
	v52 =	vmin.f32 v39, v6;
	v51, _, _ =	vpop (xrf1)  }
0xc8: {  	v54 =	vmin.f32 v43, v3;
	v53, _, _ =	vpop (xrf1);
	(xrf1) =	vsort.ascd.msk.f32 $0xffff, v52, v52  }
0xc9: {  	v9 =	vmin.f32 v45, v50;
	v3 =	vmax.f32 v43, v3;
	v55, _, _ =	vpop (xrf1);
	(xrf1) =	vsort.ascd.msk.f32 $0xffff, v54, v54  }
0xca: {  	v5 =	vperm.xlane v49, v0;
	v56 =	vmax.f32 v55, v9;
	(xrf1) =	vsort.ascd.msk.f32 $0xffff, v3, v3  }
0xcb: {  	v3 =	vmax.f32 v39, v6;
	(xrf1) =	vsort.ascd.msk.f32 $0xffff, v56, v56  }
0xcc: {  	v2 =	vperm.xlane v2, v0;
	(xrf1) =	vsort.ascd.msk.f32 $0xffff, v3, v3;
	v3 =	vmin.f32 v51, v5  }
0xcd: {  	v58 =	vmin.f32 v1, v3  }
0xce: {  	v2 =	vmin.f32 v53, v2;
	v57, _, _ =	vpop (xrf1);
	v1 =	vmax.f32 v1, v3;
	(xrf1) =	vsort.ascd.msk.f32 $0xffff, v58, v58  }
0xcf: {  	v4 =	vmax.f32 v57, v2;
	v3, _, _ =	vpop (xrf1);
	(xrf1) =	vsort.ascd.msk.f32 $0xffff, v1, v1  }
0xd0: {  	v1 =	vmin.f32 v55, v9;
	v3, _, _ =	vpop (xrf1);
	(xrf1) =	vsort.ascd.msk.f32 $0xffff, v4, v4  }
0xd1: {  	v2 =	vmin.f32 v57, v2;
	v59, _, _ =	vpop (xrf1);
	(xrf1) =	vsort.ascd.msk.f32 $0xffff, v1, v1  }
0xd2: {  	v60, _, _ =	vpop (xrf1);
	(xrf1) =	vsort.ascd.msk.f32 $0xffff, v2, v2;
	_ =	sdelay $0x2  }
0xd3: {  	v1, _, _ =	vpop (xrf1)  }
0xd4: {  	v2, _, _ =	vpop (xrf1)  }
0xd5: {  	s16 =	sand.u32 $0x1, s12;
	v61, _, _ =	vpop (xrf1)  }
0xd6: {  	s18 =	sshll.u32 s16, $0xA;
	v62, _, _ =	vpop (xrf1)  }
0xd7: {  	[tilespmem:s18+$0x8080] =	vst v3;
	v4, _, _ =	vpop (xrf1)  }
0xd8: {  	[tilespmem:s18+$0x8180] =	vst v1;
	v63, _, _ =	vpop (xrf1)  }
0xd9: {  	[tilespmem:s18+$0x8200] =	vst v2;
	v6, _, _ =	vpop (xrf1)  }
0xda: {  	[tilespmem:s18+$0x8280] =	vst v4;
	v3, _, _ =	vpop (xrf1)  }
0xdb: {  	[tilespmem:s18+$0x8100] =	vst v63;
	v1, _, _ =	vpop (xrf1)  }
0xdc: {  	p2 =	seq.s32 s15, $0x7;
	[tilespmem:s18+$0x8000] =	vst v6;
	v2, _, _ =	vpop (xrf1)  }
0xdd: {  	p1 =	por p2, p1;
	[tilespmem:s18+$0x8380] =	vst v1;
	v3, _, _ =	vpop (xrf1)  }
0xde: {  	s17 =	sshll.u32 @p1 s17, $0x7;
	s16 =	sadd.s32 @p1 $0x3, s16;
	[tilespmem:s18+$0x8300] =	vst v2;
	v2, _, _ =	vpop (xrf1)  }
0xdf: {  	s19 =	simm.s32 @p1 $0x0;
	s17 =	sand.u32 @p1 $0x1FFFFF80, s17;
	_ =	strace $0x9000004B  }
0xe0: {  	s17 =	sadd.s32 @p1 s4, s17;
	s18 =	sor.u32 $0x8000, s18;
	_ =	strace @p1 $0x8000004C  }
0xe1: {  	[hbm4b:s17+s19] =	stream.linear.scatter @p1 [tilespmem:s18], [sflag:s16], $0x400, $0x200038;
	[tilespmem:$0x8800] =	vst v63  }
0xe2: {  	s16 =	simm.s32 $0x1  }
0xe3: {  	s18 =	simm.s32 $0x1;
	s16 =	simm.s32 @!p0 $0x0;
	p0 =	seq.s32 s15, $0x0  }
0xe4: {  	_ =	strace @p1 $0x9000004C;
	s14 =	sadd.s32 s16, s14;
	s16 =	simm.s32 $0x1  }
0xe5: {  	s16 =	simm.s32 @!p1 $0x0;
	p1 =	sne.s32 s15, $0x0;
	s15 =	sadd.s32 $0x1, s15  }
0xe6: {  	s17 =	sand.u32 @!p0 $0x1, s11;
	s18 =	simm.s32 @!p1 $0x0;
	p1 =	sne.s32 s15, $0x8  }
.Ltmp1:
0xe7: {  	_ =	strace @!p0 $0x8000004D;
	s17 =	sadd.s32 @!p0 $0x3, s17;
	(pc) =	sbr.rel @p1 .LBB2_2-.Ltmp1, $4  }
0xe8: {  	_ =	swait.ge @!p0 [sflag:s17], $0x400  }
0xe9: {  	[sflag:s17] =	ssyncset.done @!p0 $0x0  }
0xea: {  	s12 =	sadd.s32 s16, s12;
	[sflag:s17] =	ssyncadd.s32 @!p0 $0xFFFFFC00  }
0xeb: {  	s13 =	sadd.s32 s16, s13;
	s11 =	sadd.s32 s18, s11;
	_ =	strace @!p0 $0x9000004D  }
0xec: {  	s9 =	sadd.s32 $0x1, s9  }
0xed: {  	p0 =	sne.s32 s9, s7  }
.Ltmp2:
0xee: {  	_ =	strace $0x8000004E;
	(pc) =	sbr.rel @p0 .LBB2_1-.Ltmp2, $4  }
0xef: {  	_ =	swait.ge [sflag:s8], $0x400  }
0xf0: {  	[sflag:s8] =	ssyncset.done $0x0  }
0xf1: {  	[sflag:s8] =	ssyncadd.s32 $0xFFFFFC00  }
0xf2: {  	_ =	strace $0x9000004E  }
0xf3: {  	_ =	sfence.sel $0x180000  }
0xf4: {  	[bflag:$0x0] =	sbarrier.arrive $0xFFFF  }
0xf5: {  	p0 =	sne.s32 s2, $0x0;
	_ =	strace $0x90000047  }
0xf6: {  	s0 =	sadd.s32 @!p0 $0x100000, s0;
	[bflag:$0x2] =	sbarrier.arrive $0xFFFF  }
0xf7: {  	[sflag:s0] =	ssyncadd.tile.s32 @!p0 $0x1;
	_ =	shalt  }
.Lfunc_end2:
_tile_overlayer_lowered:
.L_overlay_start_2:
0xf8: {  	(tag) =	ssettag $0x2  }
0xf9: {  	s0 =	rddreg [dreg:$0x0];
	s2 =	stileid.u32  }
0xfa: {  	s1 =	rddreg [dreg:$0x1];
	p0 =	sne.s32 s2, $0x0  }
0xfb: {  	s3 =	rddreg [dreg:$0x2];
	[bflag:$0x3] =	sbarrier.arrive $0xFFFF;
	s2 =	simm.s32 @!p0 $0x1C01  }
0xfc: {  	[timem:s3], [sflag:s2] =	dma.local @!p0 [hbm:s0], s1  }
0xfd: {  	s0 =	simm.s32 @!p0 $0x1  }
0xfe: {  	_ =	swait.ge @!p0 [sflag:s0], s1  }
0xff: {  	s1 =	ssub.s32 @!p0 $0x0, s1;
	[sflag:s0] =	ssyncset.done @!p0 $0x0  }
0x100: {  	[sflag:s0] =	ssyncadd.s32 @!p0 s1  }
0x101: {  	[bflag:$0x3] =	sbarrier.arrive $0xFFFF  }
0x102: {  	_ =	shalt  }

</sc_bundles>
